<compile_context>
chip_gen: v7x
topology: tpu7x:2x2x1
jax: 0.10.2.dev20260603
libtpu: 0.0.44.dev20260713+nightly
codegen_flags: <defaults>
</compile_context>

<pallas_src>
import functools

import jax
import jax.numpy as jnp
import numpy as np
from jax import lax
from jax.experimental import pallas as pl
from jax.experimental.pallas import tpu as pltpu
from jax.experimental.pallas import tpu_sc as plsc

B = 8
N = 4096
S = 512
KS = (16, 32, 64)
R2 = tuple(np.float32(r * r) for r in (0.1, 0.2, 0.4))
KTOT = sum(KS)
GW = 3 * KTOT
XOFF = (0, KS[0], KS[0] + KS[1])


def _fps_body(xyz_ref, new_ref, idx_ref):
    x = xyz_ref[:, 0, :]
    y = xyz_ref[:, 1, :]
    z = xyz_ref[:, 2, :]
    iota = lax.broadcasted_iota(jnp.int32, (B, N), 1)
    slot = (lax.broadcasted_iota(jnp.int32, (B, S), 1)
            + lax.broadcasted_iota(jnp.int32, (B, S), 0) * S) & (S - 1)

    def step(t, carry):
        dist, idx, cx, cy, cz, ia, xa, ya, za = carry
        here = slot == t
        hi = here.astype(jnp.int32)
        hf = here.astype(jnp.float32)
        ia = ia + hi * idx
        xa = xa + hf * cx
        ya = ya + hf * cy
        za = za + hf * cz
        d = (x - cx) ** 2 + (y - cy) ** 2 + (z - cz) ** 2
        dist = jnp.minimum(dist, d)
        nidx = jnp.argmax(dist, axis=1).astype(jnp.int32)[:, None]
        sel = iota == nidx
        zf = jnp.zeros((), jnp.float32)
        xyz3 = jnp.stack([x, y, z])
        csum = jnp.sum(jnp.where(sel[None], xyz3, zf), axis=2)
        ncx = csum[0][:, None]
        ncy = csum[1][:, None]
        ncz = csum[2][:, None]
        return dist, nidx, ncx, ncy, ncz, ia, xa, ya, za

    init = (
        jnp.full((B, N), 1e10, jnp.float32),
        jnp.zeros((B, 1), jnp.int32),
        x[:, 0:1],
        y[:, 0:1],
        z[:, 0:1],
        jnp.zeros((B, S), jnp.int32),
        jnp.zeros((B, S), jnp.float32),
        jnp.zeros((B, S), jnp.float32),
        jnp.zeros((B, S), jnp.float32),
    )
    res = lax.fori_loop(0, S, step, init)
    idx_ref[...] = res[5]
    new_ref[:, 0, :] = res[6]
    new_ref[:, 1, :] = res[7]
    new_ref[:, 2, :] = res[8]


def _fps(xyz):
    return pl.pallas_call(
        _fps_body,
        out_shape=[
            jax.ShapeDtypeStruct((B, 3, S), jnp.float32),
            jax.ShapeDtypeStruct((B, S), jnp.int32),
        ],
    )(xyz)


def _make_select():
    mesh = plsc.VectorSubcoreMesh(core_axis_name="c", subcore_axis_name="s")

    @functools.partial(
        pl.kernel,
        mesh=mesh,
        compiler_params=pltpu.CompilerParams(needs_layout_passes=False),
        out_type=jax.ShapeDtypeStruct((B * S, GW), jnp.float32),
        scratch_types=[
            pltpu.VMEM((N,), jnp.float32),
            pltpu.VMEM((N,), jnp.float32),
            pltpu.VMEM((N,), jnp.float32),
            pltpu.VMEM((S,), jnp.int32),
            pltpu.VMEM((GW,), jnp.float32),
            pltpu.VMEM((KS[0],), jnp.int32),
            pltpu.VMEM((KS[1],), jnp.int32),
            pltpu.VMEM((KS[2],), jnp.int32),
        ],
    )
    def select(xyz_hbm, fps_hbm, g_hbm, xv, yv, zv, fpsv, outb, ib1, ib2, ib3):
        wid = lax.axis_index("s") * 2 + lax.axis_index("c")
        b = wid // 4
        q = wid % 4
        pltpu.sync_copy(xyz_hbm.at[b * 3 + 0], xv)
        pltpu.sync_copy(xyz_hbm.at[b * 3 + 1], yv)
        pltpu.sync_copy(xyz_hbm.at[b * 3 + 2], zv)
        pltpu.sync_copy(fps_hbm.at[b], fpsv)
        lane = jnp.arange(16, dtype=jnp.int32)
        ibufs = (ib1, ib2, ib3)

        def per_center(s_loc, _):
            s_abs = q * 128 + s_loc
            cidx = plsc.load_gather(fpsv, [jnp.full((16,), s_abs, jnp.int32)])
            cx = plsc.load_gather(xv, [cidx])
            cy = plsc.load_gather(yv, [cidx])
            cz = plsc.load_gather(zv, [cidx])
            fill = jnp.full((16,), N - 1, jnp.int32)
            for i in range(3):
                for j in range(KS[i] // 16):
                    ibufs[i][pl.ds(16 * j, 16)] = fill

            UNROLL = 8

            def scan_group(g, carry):
                cnts, firsts = carry
                cnts = list(cnts)
                firsts = list(firsts)
                d2s = []
                gidxs = []
                for u in range(UNROLL):
                    c = g * UNROLL + u
                    xc = xv[pl.ds(c * 16, 16)]
                    yc = yv[pl.ds(c * 16, 16)]
                    zc = zv[pl.ds(c * 16, 16)]
                    dx = xc - cx
                    dy = yc - cy
                    dz = zc - cz
                    d2s.append(dx * dx + dy * dy + dz * dz)
                    gidxs.append(lane + c * 16)
                for i in range(3):
                    def do_scale(i=i):
                        cnt = cnts[i]
                        fst = firsts[i]
                        for u in range(UNROLL):
                            m = d2s[u] <= R2[i]
                            cs = jnp.cumsum(m.astype(jnp.int32))
                            slot = cnt + cs - 1
                            valid = jnp.logical_and(m, slot < KS[i])
                            slot = jnp.minimum(jnp.maximum(slot, 0),
                                               KS[i] - 1)
                            plsc.store_scatter(ibufs[i], [slot], gidxs[u],
                                               mask=valid)
                            cnt = cnt + plsc.all_reduce_population_count(m)
                            fst = jnp.minimum(
                                fst, jnp.where(m, gidxs[u], N - 1))
                        return cnt, fst

                    def skip_scale(i=i):
                        return cnts[i], firsts[i]

                    pending = jnp.max(cnts[i]) < KS[i]
                    cnts[i], firsts[i] = lax.cond(pending, do_scale,
                                                  skip_scale)
                return tuple(cnts), tuple(firsts)

            z16 = jnp.zeros((16,), jnp.int32)
            f16 = jnp.full((16,), N - 1, jnp.int32)
            cnts, firsts = lax.fori_loop(
                0, N // (16 * UNROLL), scan_group,
                ((z16, z16, z16), (f16, f16, f16)))
            for i in range(3):
                first = jnp.full((16,), jnp.min(firsts[i]), jnp.int32)
                for j in range(KS[i] // 16):
                    cur = ibufs[i][pl.ds(16 * j, 16)]
                    res = jnp.where(lane + 16 * j < cnts[i], cur, first)
                    off = XOFF[i] + 16 * j
                    outb[pl.ds(off, 16)] = plsc.load_gather(xv, [res]) - cx
                    outb[pl.ds(KTOT + off, 16)] = plsc.load_gather(yv, [res]) - cy
                    outb[pl.ds(2 * KTOT + off, 16)] = plsc.load_gather(zv, [res]) - cz
            pltpu.sync_copy(outb, g_hbm.at[b * S + s_abs])
            return 0

        lax.fori_loop(0, 128, per_center, 0)

    return select


_select_cache = []


def _get_select():
    if not _select_cache:
        _select_cache.append(_make_select())
    return _select_cache[0]


SBLK = 128


def _mlp_body(g_ref, *refs):
    wrefs = refs[:18]
    o_refs = refs[18:]
    sb = pl.program_id(1)
    r = g_ref[0]
    for i in range(3):
        k = KS[i]
        o = XOFF[i]
        gx = r[:, o:o + k]
        gy = r[:, KTOT + o:KTOT + o + k]
        gz = r[:, 2 * KTOT + o:2 * KTOT + o + k]
        w1, b1, w2, b2, w3, b3 = wrefs[6 * i:6 * i + 6]
        h = (gx[:, :, None] * w1[0][None, None, :]
             + gy[:, :, None] * w1[1][None, None, :]
             + gz[:, :, None] * w1[2][None, None, :]
             + b1[0][None, None, :])
        h = jnp.maximum(h, 0.0)
        c1 = h.shape[-1]
        h = h.reshape(SBLK * k, c1)
        h = jnp.maximum(jnp.dot(h, w2[...], preferred_element_type=jnp.float32)
                        + b2[...], 0.0)
        h = jnp.maximum(jnp.dot(h, w3[...], preferred_element_type=jnp.float32)
                        + b3[...], 0.0)
        m = jnp.max(h.reshape(SBLK, k, 128), axis=0)
        o_ref = o_refs[i]

        @pl.when(sb == 0)
        def _():
            o_ref[0] = m

        @pl.when(sb != 0)
        def _():
            o_ref[0] = jnp.maximum(o_ref[0], m)


def _mlp(g, wlist):
    grid = (B, S // SBLK)
    in_specs = [pl.BlockSpec((1, SBLK, GW), lambda bb, sb: (bb, sb, 0))]
    for w in wlist:
        in_specs.append(
            pl.BlockSpec(w.shape, lambda bb, sb, nd=w.ndim: (0,) * nd))
    out_specs = [
        pl.BlockSpec((1, KS[i], 128), lambda bb, sb: (bb, 0, 0))
        for i in range(3)
    ]
    return pl.pallas_call(
        _mlp_body,
        grid=grid,
        in_specs=in_specs,
        out_specs=out_specs,
        out_shape=[
            jax.ShapeDtypeStruct((B, KS[i], 128), jnp.float32) for i in range(3)
        ],
    )(g, *wlist)


def kernel(xyz, points, params):
    del points
    new_xyz, fps_idx = _fps(xyz)
    g = _get_select()(xyz.reshape(B * 3, N), fps_idx)
    wlist = []
    for i in range(3):
        for (w, bvec) in params[i]:
            wlist.append(w)
            wlist.append(bvec.reshape(1, -1))
    o1, o2, o3 = _mlp(g.reshape(B, S, GW), wlist)
    return new_xyz, jnp.concatenate([o1, o2, o3], axis=1)

# --- scband reference (transcript-rebuilt; emitter-appended) ---
"""Pipeline reference for scband-point-net-set-abstraction-msg-32409823215993 (READ-ONLY COPY).

The authoritative reference and input builder live on the scoring server;
editing this copy changes nothing except your own understanding.
"""

import jax, jax.numpy as jnp
import numpy as np

NUM_FPS_POINTS = 512
RADIUS_LIST = [0.1, 0.2, 0.4]
NUM_BQ_POINTS_LIST = [16, 32, 64]
INIT_IN_CHANNEL = 0
MLP_LIST = [[32, 64, 128], [64, 64, 128], [64, 96, 128]]
B, N = 8, 4096


def index2points(points, idx):
    Bb, C, Nn = points.shape
    if idx.ndim == 2:
        return jnp.take_along_axis(points, idx[:, None, :], axis=2)
    _, S, K = idx.shape
    flat = jnp.take_along_axis(points, idx.reshape(Bb, 1, S * K), axis=2)
    return flat.reshape(Bb, C, S, K)


def furthest_point_sample(coords, num_samples):
    Bb, _, Nn = coords.shape
    p = jnp.transpose(coords, (0, 2, 1))  # [B, N, 3]

    def body(carry, _):
        dist, farthest = carry
        centroid = jnp.take_along_axis(p, farthest[:, None, None], axis=1)  # [B,1,3]
        d = jnp.sum((p - centroid) ** 2, axis=-1)
        dist = jnp.minimum(dist, d)
        nxt = jnp.argmax(dist, axis=-1).astype(jnp.int32)
        return (dist, nxt), farthest

    init = (jnp.full((Bb, Nn), 1e10, dtype=jnp.float32), jnp.zeros((Bb,), dtype=jnp.int32))
    _, idxs = jax.lax.scan(body, init, None, length=num_samples)
    return jnp.transpose(idxs, (1, 0))  # [B, num_samples]


def ball_query(center_coords, coords, radius, num_samples):
    c = jnp.transpose(center_coords, (0, 2, 1))  # [B, S, 3]
    p = jnp.transpose(coords, (0, 2, 1))  # [B, N, 3]
    sqr = jnp.sum((c[:, :, None, :] - p[:, None, :, :]) ** 2, axis=-1)  # [B, S, N]
    Nn = p.shape[1]
    gidx = jnp.broadcast_to(jnp.arange(Nn, dtype=jnp.int32), sqr.shape)
    gidx = jnp.where(sqr > radius ** 2, Nn, gidx)
    gidx = jnp.sort(gidx, axis=-1)[:, :, :num_samples]
    first = gidx[:, :, :1]
    gidx = jnp.where(gidx == Nn, first, gidx)
    gidx = jnp.clip(gidx, 0, Nn - 1)
    return gidx  # [B, S, K]


def sampling_layer(coords, num_samples):
    fps_idx = jax.lax.stop_gradient(furthest_point_sample(coords, num_samples))
    return index2points(coords, fps_idx)


def group_layer(coords, center_coords, num_samples, radius, points=None):
    idx = jax.lax.stop_gradient(ball_query(center_coords, coords, radius, num_samples))
    grouped_coords = index2points(coords, idx)  # [B,3,S,K]
    norm = grouped_coords - center_coords[:, :, :, None]
    if points is not None:
        gp = index2points(points, idx)
        return jnp.concatenate([norm, gp], axis=1)
    return norm


def setup_inputs(seed: int = 0) -> dict:
    key = jax.random.key(seed)
    k0, k1, kp = jax.random.split(key, 3)
    xyz = jax.random.uniform(k0, (B, 3, N), dtype=jnp.float32)
    points = jax.random.normal(k1, (B, 64, N), dtype=jnp.float32)
    params = []
    pk = kp
    for mlp in MLP_LIST:
        in_ch = INIT_IN_CHANNEL + 3
        layers = []
        for out_ch in mlp:
            pk, kw = jax.random.split(pk)
            W = jax.random.normal(kw, (in_ch, out_ch), dtype=jnp.float32) / np.sqrt(in_ch)
            bvec = jnp.zeros((out_ch,), dtype=jnp.float32)
            layers.append((W, bvec))
            in_ch = out_ch
        params.append(tuple(layers))
    return {"xyz": xyz, "points": points, "params": tuple(params)}


def reference(xyz, points, params):
    new_xyz = sampling_layer(xyz, NUM_FPS_POINTS)  # [B,3,512]
    outs = []
    for i, radius in enumerate(RADIUS_LIST):
        K = NUM_BQ_POINTS_LIST[i]
        g = group_layer(xyz, new_xyz, K, radius)  # [B,3,S,K]
        g = jnp.transpose(g, (0, 3, 2, 1))  # [B,K,S,3] (permute(0,3,2,1))
        for (W, bvec) in params[i]:
            g = jax.nn.relu(g @ W + bvec)  # MLP2D as channels-last pointwise linear + ReLU
        outs.append(jnp.max(g, axis=2))  # max over dim 2
    return new_xyz, jnp.concatenate(outs, axis=1)

if __name__ == "__main__":
    import jax
    _d = setup_inputs()
    print(jax.jit(kernel)(*tuple(_d.values())))

</pallas_src>

<mosaic_0001>
#map = affine_map<(d0, d1) -> (0, 0)>
module attributes {stable_mosaic.version = 14 : i64} {
  func.func @select(%arg0: i32, %arg1: i32, %arg2: memref<24x4096xf32, #tpu.memory_space<hbm>>, %arg3: memref<8x512xi32, #tpu.memory_space<hbm>>, %arg4: memref<4096x336xf32, #tpu.memory_space<hbm>>, %arg5: memref<4096xf32, #tpu.memory_space<vmem>>, %arg6: memref<4096xf32, #tpu.memory_space<vmem>>, %arg7: memref<4096xf32, #tpu.memory_space<vmem>>, %arg8: memref<512xi32, #tpu.memory_space<vmem>>, %arg9: memref<336xf32, #tpu.memory_space<vmem>>, %arg10: memref<16xi32, #tpu.memory_space<vmem>>, %arg11: memref<32xi32, #tpu.memory_space<vmem>>, %arg12: memref<64xi32, #tpu.memory_space<vmem>>) attributes {dimension_semantics = [#tpu.dimension_semantics<core_parallel>, #tpu.dimension_semantics<subcore_parallel>], iteration_bounds = array<i64: 2, 16>, scalar_prefetch = 0 : i64, scratch_operands = 8 : i64, tpu.core_type = #tpu.core_type<sc_vector_subcore>, window_params = [{transform_indices = #map}, {transform_indices = #map}, {transform_indices = #map}]} {
    %mul3A = arith.constant 2 : i32
    %mul3A_0 = arith.muli %arg1, %mul3A : i32
    %add3A = arith.addi %mul3A_0, %arg0 : i32
    %jit3A = arith.constant 4 : i32
    %div3A = arith.divsi %add3A, %jit3A : i32
    %sign3A = arith.constant 0 : i32
    %sign3A_1 = arith.cmpi sgt, %add3A, %sign3A : i32
    %sign3A_2 = arith.extui %sign3A_1 : i1 to i32
    %sign3A_3 = arith.constant 0 : i32
    %sign3A_4 = arith.cmpi slt, %add3A, %sign3A_3 : i32
    %sign3A_5 = arith.extui %sign3A_4 : i1 to i32
    %sign3A_6 = arith.subi %sign3A_2, %sign3A_5 : i32
    %sign3A_7 = arith.constant 0 : i32
    %sign3A_8 = arith.cmpi sgt, %jit3A, %sign3A_7 : i32
    %sign3A_9 = arith.extui %sign3A_8 : i1 to i32
    %sign3A_10 = arith.constant 0 : i32
    %sign3A_11 = arith.cmpi slt, %jit3A, %sign3A_10 : i32
    %sign3A_12 = arith.extui %sign3A_11 : i1 to i32
    %sign3A_13 = arith.subi %sign3A_9, %sign3A_12 : i32
    %ne3A = arith.cmpi ne, %sign3A_6, %sign3A_13 : i32
    %rem3A = arith.remsi %add3A, %jit3A : i32
    %ne3A_14 = arith.constant 0 : i32
    %ne3A_15 = arith.cmpi ne, %rem3A, %ne3A_14 : i32
    %and3A = arith.andi %ne3A, %ne3A_15 : i1
    %sub3A = arith.constant 1 : i32
    %sub3A_16 = arith.subi %div3A, %sub3A : i32
    %select_n3A = arith.select %and3A, %sub3A_16, %div3A : i32
    %jit3A_17 = arith.constant 4 : i32
    %eq3A = arith.constant 0 : i32
    %eq3A_18 = arith.cmpi eq, %jit3A_17, %eq3A : i32
    %jit3A_19 = arith.constant 1 : i32
    %select_n3A_20 = arith.select %eq3A_18, %jit3A_19, %jit3A_17 : i32
    %rem3A_21 = arith.remsi %add3A, %select_n3A_20 : i32
    %ne3A_22 = arith.constant 0 : i32
    %ne3A_23 = arith.cmpi ne, %rem3A_21, %ne3A_22 : i32
    %lt3A = arith.constant 0 : i32
    %lt3A_24 = arith.cmpi slt, %rem3A_21, %lt3A : i32
    %lt3A_25 = arith.constant 0 : i32
    %lt3A_26 = arith.cmpi slt, %select_n3A_20, %lt3A_25 : i32
    %ne3A_27 = arith.xori %lt3A_24, %lt3A_26 : i1
    %and3A_28 = arith.andi %ne3A_27, %ne3A_23 : i1
    %add3A_29 = arith.addi %rem3A_21, %select_n3A_20 : i32
    %select_n3A_30 = arith.select %and3A_28, %add3A_29, %rem3A_21 : i32
    %mul3A_31 = arith.constant 3 : i32
    %mul3A_32 = arith.muli %select_n3A, %mul3A_31 : i32
    %add3A_33 = arith.constant 0 : i32
    %add3A_34 = arith.addi %mul3A_32, %add3A_33 : i32
    "tpu.region"() ({
      %run_scoped3A = tpu.sem_alloc : memref<!tpu.dma_semaphore, #tpu.memory_space<semaphore_mem>>
      %dma_start3A = arith.constant 0 : i32
      %dma_start3A_49 = tpu.memref_slice %arg2[%add3A_34, %dma_start3A] : memref<24x4096xf32, #tpu.memory_space<hbm>> -> memref<1x4096xf32, #tpu.memory_space<hbm>>
      %dma_start3A_50 = tpu.memref_squeeze %dma_start3A_49 : memref<1x4096xf32, #tpu.memory_space<hbm>> -> memref<4096xf32, #tpu.memory_space<hbm>>
      %dma_start3A_51 = arith.constant 0 : i32
      %dma_start3A_52 = tpu.memref_slice %arg2[%add3A_34, %dma_start3A_51] : memref<24x4096xf32, #tpu.memory_space<hbm>> -> memref<1x4096xf32, #tpu.memory_space<hbm>>
      %dma_start3A_53 = tpu.memref_squeeze %dma_start3A_52 : memref<1x4096xf32, #tpu.memory_space<hbm>> -> memref<4096xf32, #tpu.memory_space<hbm>>
      tpu.enqueue_dma source(%dma_start3A_53 : memref<4096xf32, #tpu.memory_space<hbm>>) target(%arg5 : memref<4096xf32, #tpu.memory_space<vmem>>) target_semaphore(%run_scoped3A : memref<!tpu.dma_semaphore, #tpu.memory_space<semaphore_mem>>)
      %dma_wait3A = arith.constant 0 : i32
      %dma_wait3A_54 = tpu.memref_slice %arg2[%add3A_34, %dma_wait3A] : memref<24x4096xf32, #tpu.memory_space<hbm>> -> memref<1x4096xf32, #tpu.memory_space<hbm>>
      %dma_wait3A_55 = tpu.memref_squeeze %dma_wait3A_54 : memref<1x4096xf32, #tpu.memory_space<hbm>> -> memref<4096xf32, #tpu.memory_space<hbm>>
      %dma_wait3A_56 = arith.constant 0 : i32
      %dma_wait3A_57 = tpu.memref_slice %arg2[%add3A_34, %dma_wait3A_56] : memref<24x4096xf32, #tpu.memory_space<hbm>> -> memref<1x4096xf32, #tpu.memory_space<hbm>>
      %dma_wait3A_58 = tpu.memref_squeeze %dma_wait3A_57 : memref<1x4096xf32, #tpu.memory_space<hbm>> -> memref<4096xf32, #tpu.memory_space<hbm>>
      tpu.wait_dma2 semaphore(%run_scoped3A : memref<!tpu.dma_semaphore, #tpu.memory_space<semaphore_mem>>) src(%dma_wait3A_58 : memref<4096xf32, #tpu.memory_space<hbm>>) dst(%arg5 : memref<4096xf32, #tpu.memory_space<vmem>>)
      tpu.yield
    }) : () -> ()
    %mul3A_35 = arith.constant 3 : i32
    %mul3A_36 = arith.muli %select_n3A, %mul3A_35 : i32
    %add3A_37 = arith.constant 1 : i32
    %add3A_38 = arith.addi %mul3A_36, %add3A_37 : i32
    "tpu.region"() ({
      %run_scoped3A = tpu.sem_alloc : memref<!tpu.dma_semaphore, #tpu.memory_space<semaphore_mem>>
      %dma_start3A = arith.constant 0 : i32
      %dma_start3A_49 = tpu.memref_slice %arg2[%add3A_38, %dma_start3A] : memref<24x4096xf32, #tpu.memory_space<hbm>> -> memref<1x4096xf32, #tpu.memory_space<hbm>>
      %dma_start3A_50 = tpu.memref_squeeze %dma_start3A_49 : memref<1x4096xf32, #tpu.memory_space<hbm>> -> memref<4096xf32, #tpu.memory_space<hbm>>
      %dma_start3A_51 = arith.constant 0 : i32
      %dma_start3A_52 = tpu.memref_slice %arg2[%add3A_38, %dma_start3A_51] : memref<24x4096xf32, #tpu.memory_space<hbm>> -> memref<1x4096xf32, #tpu.memory_space<hbm>>
      %dma_start3A_53 = tpu.memref_squeeze %dma_start3A_52 : memref<1x4096xf32, #tpu.memory_space<hbm>> -> memref<4096xf32, #tpu.memory_space<hbm>>
      tpu.enqueue_dma source(%dma_start3A_53 : memref<4096xf32, #tpu.memory_space<hbm>>) target(%arg6 : memref<4096xf32, #tpu.memory_space<vmem>>) target_semaphore(%run_scoped3A : memref<!tpu.dma_semaphore, #tpu.memory_space<semaphore_mem>>)
      %dma_wait3A = arith.constant 0 : i32
      %dma_wait3A_54 = tpu.memref_slice %arg2[%add3A_38, %dma_wait3A] : memref<24x4096xf32, #tpu.memory_space<hbm>> -> memref<1x4096xf32, #tpu.memory_space<hbm>>
      %dma_wait3A_55 = tpu.memref_squeeze %dma_wait3A_54 : memref<1x4096xf32, #tpu.memory_space<hbm>> -> memref<4096xf32, #tpu.memory_space<hbm>>
      %dma_wait3A_56 = arith.constant 0 : i32
      %dma_wait3A_57 = tpu.memref_slice %arg2[%add3A_38, %dma_wait3A_56] : memref<24x4096xf32, #tpu.memory_space<hbm>> -> memref<1x4096xf32, #tpu.memory_space<hbm>>
      %dma_wait3A_58 = tpu.memref_squeeze %dma_wait3A_57 : memref<1x4096xf32, #tpu.memory_space<hbm>> -> memref<4096xf32, #tpu.memory_space<hbm>>
      tpu.wait_dma2 semaphore(%run_scoped3A : memref<!tpu.dma_semaphore, #tpu.memory_space<semaphore_mem>>) src(%dma_wait3A_58 : memref<4096xf32, #tpu.memory_space<hbm>>) dst(%arg6 : memref<4096xf32, #tpu.memory_space<vmem>>)
      tpu.yield
    }) : () -> ()
    %mul3A_39 = arith.constant 3 : i32
    %mul3A_40 = arith.muli %select_n3A, %mul3A_39 : i32
    %add3A_41 = arith.constant 2 : i32
    %add3A_42 = arith.addi %mul3A_40, %add3A_41 : i32
    "tpu.region"() ({
      %run_scoped3A = tpu.sem_alloc : memref<!tpu.dma_semaphore, #tpu.memory_space<semaphore_mem>>
      %dma_start3A = arith.constant 0 : i32
      %dma_start3A_49 = tpu.memref_slice %arg2[%add3A_42, %dma_start3A] : memref<24x4096xf32, #tpu.memory_space<hbm>> -> memref<1x4096xf32, #tpu.memory_space<hbm>>
      %dma_start3A_50 = tpu.memref_squeeze %dma_start3A_49 : memref<1x4096xf32, #tpu.memory_space<hbm>> -> memref<4096xf32, #tpu.memory_space<hbm>>
      %dma_start3A_51 = arith.constant 0 : i32
      %dma_start3A_52 = tpu.memref_slice %arg2[%add3A_42, %dma_start3A_51] : memref<24x4096xf32, #tpu.memory_space<hbm>> -> memref<1x4096xf32, #tpu.memory_space<hbm>>
      %dma_start3A_53 = tpu.memref_squeeze %dma_start3A_52 : memref<1x4096xf32, #tpu.memory_space<hbm>> -> memref<4096xf32, #tpu.memory_space<hbm>>
      tpu.enqueue_dma source(%dma_start3A_53 : memref<4096xf32, #tpu.memory_space<hbm>>) target(%arg7 : memref<4096xf32, #tpu.memory_space<vmem>>) target_semaphore(%run_scoped3A : memref<!tpu.dma_semaphore, #tpu.memory_space<semaphore_mem>>)
      %dma_wait3A = arith.constant 0 : i32
      %dma_wait3A_54 = tpu.memref_slice %arg2[%add3A_42, %dma_wait3A] : memref<24x4096xf32, #tpu.memory_space<hbm>> -> memref<1x4096xf32, #tpu.memory_space<hbm>>
      %dma_wait3A_55 = tpu.memref_squeeze %dma_wait3A_54 : memref<1x4096xf32, #tpu.memory_space<hbm>> -> memref<4096xf32, #tpu.memory_space<hbm>>
      %dma_wait3A_56 = arith.constant 0 : i32
      %dma_wait3A_57 = tpu.memref_slice %arg2[%add3A_42, %dma_wait3A_56] : memref<24x4096xf32, #tpu.memory_space<hbm>> -> memref<1x4096xf32, #tpu.memory_space<hbm>>
      %dma_wait3A_58 = tpu.memref_squeeze %dma_wait3A_57 : memref<1x4096xf32, #tpu.memory_space<hbm>> -> memref<4096xf32, #tpu.memory_space<hbm>>
      tpu.wait_dma2 semaphore(%run_scoped3A : memref<!tpu.dma_semaphore, #tpu.memory_space<semaphore_mem>>) src(%dma_wait3A_58 : memref<4096xf32, #tpu.memory_space<hbm>>) dst(%arg7 : memref<4096xf32, #tpu.memory_space<vmem>>)
      tpu.yield
    }) : () -> ()
    "tpu.region"() ({
      %run_scoped3A = tpu.sem_alloc : memref<!tpu.dma_semaphore, #tpu.memory_space<semaphore_mem>>
      %dma_start3A = arith.constant 0 : i32
      %dma_start3A_49 = tpu.memref_slice %arg3[%select_n3A, %dma_start3A] : memref<8x512xi32, #tpu.memory_space<hbm>> -> memref<1x512xi32, #tpu.memory_space<hbm>>
      %dma_start3A_50 = tpu.memref_squeeze %dma_start3A_49 : memref<1x512xi32, #tpu.memory_space<hbm>> -> memref<512xi32, #tpu.memory_space<hbm>>
      %dma_start3A_51 = arith.constant 0 : i32
      %dma_start3A_52 = tpu.memref_slice %arg3[%select_n3A, %dma_start3A_51] : memref<8x512xi32, #tpu.memory_space<hbm>> -> memref<1x512xi32, #tpu.memory_space<hbm>>
      %dma_start3A_53 = tpu.memref_squeeze %dma_start3A_52 : memref<1x512xi32, #tpu.memory_space<hbm>> -> memref<512xi32, #tpu.memory_space<hbm>>
      tpu.enqueue_dma source(%dma_start3A_53 : memref<512xi32, #tpu.memory_space<hbm>>) target(%arg8 : memref<512xi32, #tpu.memory_space<vmem>>) target_semaphore(%run_scoped3A : memref<!tpu.dma_semaphore, #tpu.memory_space<semaphore_mem>>)
      %dma_wait3A = arith.constant 0 : i32
      %dma_wait3A_54 = tpu.memref_slice %arg3[%select_n3A, %dma_wait3A] : memref<8x512xi32, #tpu.memory_space<hbm>> -> memref<1x512xi32, #tpu.memory_space<hbm>>
      %dma_wait3A_55 = tpu.memref_squeeze %dma_wait3A_54 : memref<1x512xi32, #tpu.memory_space<hbm>> -> memref<512xi32, #tpu.memory_space<hbm>>
      %dma_wait3A_56 = arith.constant 0 : i32
      %dma_wait3A_57 = tpu.memref_slice %arg3[%select_n3A, %dma_wait3A_56] : memref<8x512xi32, #tpu.memory_space<hbm>> -> memref<1x512xi32, #tpu.memory_space<hbm>>
      %dma_wait3A_58 = tpu.memref_squeeze %dma_wait3A_57 : memref<1x512xi32, #tpu.memory_space<hbm>> -> memref<512xi32, #tpu.memory_space<hbm>>
      tpu.wait_dma2 semaphore(%run_scoped3A : memref<!tpu.dma_semaphore, #tpu.memory_space<semaphore_mem>>) src(%dma_wait3A_58 : memref<512xi32, #tpu.memory_space<hbm>>) dst(%arg8 : memref<512xi32, #tpu.memory_space<vmem>>)
      tpu.yield
    }) : () -> ()
    %iota3A = tpu.iota {dimensions = array<i32: 0>} : vector<16xi32>
    %scan3A = arith.constant 0 : i32
    %scan3A_43 = arith.constant 0 : i32
    %scan3A_44 = arith.constant 128 : i32
    %scan3A_45 = arith.addi %scan3A_43, %scan3A_44 : i32
    %scan3A_46 = arith.constant 1 : i32
    %scan3A_47 = scf.for %scan3A_49 = %scan3A_43 to %scan3A_45 step %scan3A_46 iter_args(%scan3A_50 = %scan3A) -> (i32)  : i32 {
      %mul3A_51 = arith.constant 128 : i32
      %mul3A_52 = arith.muli %select_n3A_30, %mul3A_51 : i32
      %add3A_53 = arith.addi %mul3A_52, %scan3A_49 : i32
      %broadcast_in_dim3A = vector.broadcast %add3A_53 : i32 to vector<16xi32>
      %gather3A = tpu.vector_load_idx %arg8[%broadcast_in_dim3A] : memref<512xi32, #tpu.memory_space<vmem>>[vector<16xi32>], vector<16xi32>,
      %gather3A_54 = tpu.vector_load_idx %arg5[%gather3A] : memref<4096xf32, #tpu.memory_space<vmem>>[vector<16xi32>], vector<16xf32>,
      %gather3A_55 = tpu.vector_load_idx %arg6[%gather3A] : memref<4096xf32, #tpu.memory_space<vmem>>[vector<16xi32>], vector<16xf32>,
      %gather3A_56 = tpu.vector_load_idx %arg7[%gather3A] : memref<4096xf32, #tpu.memory_space<vmem>>[vector<16xi32>], vector<16xf32>,
      %broadcast_in_dim3A_57 = arith.constant 4095 : i32
      %broadcast_in_dim3A_58 = vector.broadcast %broadcast_in_dim3A_57 : i32 to vector<16xi32>
      %swap3A = arith.constant 0 : index
      %swap3A_59 = tpu.vector_load %arg10[%swap3A] {strides = array<i32>} : memref<16xi32, #tpu.memory_space<vmem>>, vector<16xi32>,
      tpu.vector_store %arg10[%swap3A], %broadcast_in_dim3A_58 {strides = array<i32>} : memref<16xi32, #tpu.memory_space<vmem>>, vector<16xi32>,
      %swap3A_60 = arith.constant 0 : index
      %swap3A_61 = tpu.vector_load %arg11[%swap3A_60] {strides = array<i32>} : memref<32xi32, #tpu.memory_space<vmem>>, vector<16xi32>,
      tpu.vector_store %arg11[%swap3A_60], %broadcast_in_dim3A_58 {strides = array<i32>} : memref<32xi32, #tpu.memory_space<vmem>>, vector<16xi32>,
      %swap3A_62 = arith.constant 16 : index
      %swap3A_63 = tpu.vector_load %arg11[%swap3A_62] {strides = array<i32>} : memref<32xi32, #tpu.memory_space<vmem>>, vector<16xi32>,
      tpu.vector_store %arg11[%swap3A_62], %broadcast_in_dim3A_58 {strides = array<i32>} : memref<32xi32, #tpu.memory_space<vmem>>, vector<16xi32>,
      %swap3A_64 = arith.constant 0 : index
      %swap3A_65 = tpu.vector_load %arg12[%swap3A_64] {strides = array<i32>} : memref<64xi32, #tpu.memory_space<vmem>>, vector<16xi32>,
      tpu.vector_store %arg12[%swap3A_64], %broadcast_in_dim3A_58 {strides = array<i32>} : memref<64xi32, #tpu.memory_space<vmem>>, vector<16xi32>,
      %swap3A_66 = arith.constant 16 : index
      %swap3A_67 = tpu.vector_load %arg12[%swap3A_66] {strides = array<i32>} : memref<64xi32, #tpu.memory_space<vmem>>, vector<16xi32>,
      tpu.vector_store %arg12[%swap3A_66], %broadcast_in_dim3A_58 {strides = array<i32>} : memref<64xi32, #tpu.memory_space<vmem>>, vector<16xi32>,
      %swap3A_68 = arith.constant 32 : index
      %swap3A_69 = tpu.vector_load %arg12[%swap3A_68] {strides = array<i32>} : memref<64xi32, #tpu.memory_space<vmem>>, vector<16xi32>,
      tpu.vector_store %arg12[%swap3A_68], %broadcast_in_dim3A_58 {strides = array<i32>} : memref<64xi32, #tpu.memory_space<vmem>>, vector<16xi32>,
      %swap3A_70 = arith.constant 48 : index
      %swap3A_71 = tpu.vector_load %arg12[%swap3A_70] {strides = array<i32>} : memref<64xi32, #tpu.memory_space<vmem>>, vector<16xi32>,
      tpu.vector_store %arg12[%swap3A_70], %broadcast_in_dim3A_58 {strides = array<i32>} : memref<64xi32, #tpu.memory_space<vmem>>, vector<16xi32>,
      %broadcast_in_dim3A_72 = arith.constant 0 : i32
      %broadcast_in_dim3A_73 = vector.broadcast %broadcast_in_dim3A_72 : i32 to vector<16xi32>
      %broadcast_in_dim3A_74 = arith.constant 4095 : i32
      %broadcast_in_dim3A_75 = vector.broadcast %broadcast_in_dim3A_74 : i32 to vector<16xi32>
      %scan3A_76 = arith.constant 0 : i32
      %scan3A_77 = arith.constant 32 : i32
      %scan3A_78 = arith.addi %scan3A_76, %scan3A_77 : i32
      %scan3A_79 = arith.constant 1 : i32
      %scan3A_80:6 = scf.for %scan3A_244 = %scan3A_76 to %scan3A_78 step %scan3A_79 iter_args(%scan3A_245 = %broadcast_in_dim3A_73, %scan3A_246 = %broadcast_in_dim3A_73, %scan3A_247 = %broadcast_in_dim3A_73, %scan3A_248 = %broadcast_in_dim3A_75, %scan3A_249 = %broadcast_in_dim3A_75, %scan3A_250 = %broadcast_in_dim3A_75) -> (vector<16xi32>, vector<16xi32>, vector<16xi32>, vector<16xi32>, vector<16xi32>, vector<16xi32>)  : i32 {
        %mul3A_251 = arith.constant 8 : i32
        %mul3A_252 = arith.muli %scan3A_244, %mul3A_251 : i32
        %add3A_253 = arith.constant 0 : i32
        %add3A_254 = arith.addi %mul3A_252, %add3A_253 : i32
        %mul3A_255 = arith.constant 16 : i32
        %mul3A_256 = arith.muli %add3A_254, %mul3A_255 : i32
        %get3A_257 = arith.index_cast %mul3A_256 : i32 to index
        %get3A_258 = tpu.vector_load %arg5[%get3A_257] {strides = array<i32>} : memref<4096xf32, #tpu.memory_space<vmem>>, vector<16xf32>,
        %mul3A_259 = arith.constant 16 : i32
        %mul3A_260 = arith.muli %add3A_254, %mul3A_259 : i32
        %get3A_261 = arith.index_cast %mul3A_260 : i32 to index
        %get3A_262 = tpu.vector_load %arg6[%get3A_261] {strides = array<i32>} : memref<4096xf32, #tpu.memory_space<vmem>>, vector<16xf32>,
        %mul3A_263 = arith.constant 16 : i32
        %mul3A_264 = arith.muli %add3A_254, %mul3A_263 : i32
        %get3A_265 = arith.index_cast %mul3A_264 : i32 to index
        %get3A_266 = tpu.vector_load %arg7[%get3A_265] {strides = array<i32>} : memref<4096xf32, #tpu.memory_space<vmem>>, vector<16xf32>,
        %sub3A_267 = arith.subf %get3A_258, %gather3A_54 : vector<16xf32>
        %sub3A_268 = arith.subf %get3A_262, %gather3A_55 : vector<16xf32>
        %sub3A_269 = arith.subf %get3A_266, %gather3A_56 : vector<16xf32>
        %mul3A_270 = arith.mulf %sub3A_267, %sub3A_267 : vector<16xf32>
        %mul3A_271 = arith.mulf %sub3A_268, %sub3A_268 : vector<16xf32>
        %add3A_272 = arith.addf %mul3A_270, %mul3A_271 : vector<16xf32>
        %mul3A_273 = arith.mulf %sub3A_269, %sub3A_269 : vector<16xf32>
        %add3A_274 = arith.addf %add3A_272, %mul3A_273 : vector<16xf32>
        %mul3A_275 = arith.constant 16 : i32
        %mul3A_276 = arith.muli %add3A_254, %mul3A_275 : i32
        %add3A_277 = vector.broadcast %mul3A_276 : i32 to vector<16xi32>
        %add3A_278 = arith.addi %iota3A, %add3A_277 : vector<16xi32>
        %mul3A_279 = arith.constant 8 : i32
        %mul3A_280 = arith.muli %scan3A_244, %mul3A_279 : i32
        %add3A_281 = arith.constant 1 : i32
        %add3A_282 = arith.addi %mul3A_280, %add3A_281 : i32
        %mul3A_283 = arith.constant 16 : i32
        %mul3A_284 = arith.muli %add3A_282, %mul3A_283 : i32
        %get3A_285 = arith.index_cast %mul3A_284 : i32 to index
        %get3A_286 = tpu.vector_load %arg5[%get3A_285] {strides = array<i32>} : memref<4096xf32, #tpu.memory_space<vmem>>, vector<16xf32>,
        %mul3A_287 = arith.constant 16 : i32
        %mul3A_288 = arith.muli %add3A_282, %mul3A_287 : i32
        %get3A_289 = arith.index_cast %mul3A_288 : i32 to index
        %get3A_290 = tpu.vector_load %arg6[%get3A_289] {strides = array<i32>} : memref<4096xf32, #tpu.memory_space<vmem>>, vector<16xf32>,
        %mul3A_291 = arith.constant 16 : i32
        %mul3A_292 = arith.muli %add3A_282, %mul3A_291 : i32
        %get3A_293 = arith.index_cast %mul3A_292 : i32 to index
        %get3A_294 = tpu.vector_load %arg7[%get3A_293] {strides = array<i32>} : memref<4096xf32, #tpu.memory_space<vmem>>, vector<16xf32>,
        %sub3A_295 = arith.subf %get3A_286, %gather3A_54 : vector<16xf32>
        %sub3A_296 = arith.subf %get3A_290, %gather3A_55 : vector<16xf32>
        %sub3A_297 = arith.subf %get3A_294, %gather3A_56 : vector<16xf32>
        %mul3A_298 = arith.mulf %sub3A_295, %sub3A_295 : vector<16xf32>
        %mul3A_299 = arith.mulf %sub3A_296, %sub3A_296 : vector<16xf32>
        %add3A_300 = arith.addf %mul3A_298, %mul3A_299 : vector<16xf32>
        %mul3A_301 = arith.mulf %sub3A_297, %sub3A_297 : vector<16xf32>
        %add3A_302 = arith.addf %add3A_300, %mul3A_301 : vector<16xf32>
        %mul3A_303 = arith.constant 16 : i32
        %mul3A_304 = arith.muli %add3A_282, %mul3A_303 : i32
        %add3A_305 = vector.broadcast %mul3A_304 : i32 to vector<16xi32>
        %add3A_306 = arith.addi %iota3A, %add3A_305 : vector<16xi32>
        %mul3A_307 = arith.constant 8 : i32
        %mul3A_308 = arith.muli %scan3A_244, %mul3A_307 : i32
        %add3A_309 = arith.constant 2 : i32
        %add3A_310 = arith.addi %mul3A_308, %add3A_309 : i32
        %mul3A_311 = arith.constant 16 : i32
        %mul3A_312 = arith.muli %add3A_310, %mul3A_311 : i32
        %get3A_313 = arith.index_cast %mul3A_312 : i32 to index
        %get3A_314 = tpu.vector_load %arg5[%get3A_313] {strides = array<i32>} : memref<4096xf32, #tpu.memory_space<vmem>>, vector<16xf32>,
        %mul3A_315 = arith.constant 16 : i32
        %mul3A_316 = arith.muli %add3A_310, %mul3A_315 : i32
        %get3A_317 = arith.index_cast %mul3A_316 : i32 to index
        %get3A_318 = tpu.vector_load %arg6[%get3A_317] {strides = array<i32>} : memref<4096xf32, #tpu.memory_space<vmem>>, vector<16xf32>,
        %mul3A_319 = arith.constant 16 : i32
        %mul3A_320 = arith.muli %add3A_310, %mul3A_319 : i32
        %get3A_321 = arith.index_cast %mul3A_320 : i32 to index
        %get3A_322 = tpu.vector_load %arg7[%get3A_321] {strides = array<i32>} : memref<4096xf32, #tpu.memory_space<vmem>>, vector<16xf32>,
        %sub3A_323 = arith.subf %get3A_314, %gather3A_54 : vector<16xf32>
        %sub3A_324 = arith.subf %get3A_318, %gather3A_55 : vector<16xf32>
        %sub3A_325 = arith.subf %get3A_322, %gather3A_56 : vector<16xf32>
        %mul3A_326 = arith.mulf %sub3A_323, %sub3A_323 : vector<16xf32>
        %mul3A_327 = arith.mulf %sub3A_324, %sub3A_324 : vector<16xf32>
        %add3A_328 = arith.addf %mul3A_326, %mul3A_327 : vector<16xf32>
        %mul3A_329 = arith.mulf %sub3A_325, %sub3A_325 : vector<16xf32>
        %add3A_330 = arith.addf %add3A_328, %mul3A_329 : vector<16xf32>
        %mul3A_331 = arith.constant 16 : i32
        %mul3A_332 = arith.muli %add3A_310, %mul3A_331 : i32
        %add3A_333 = vector.broadcast %mul3A_332 : i32 to vector<16xi32>
        %add3A_334 = arith.addi %iota3A, %add3A_333 : vector<16xi32>
        %mul3A_335 = arith.constant 8 : i32
        %mul3A_336 = arith.muli %scan3A_244, %mul3A_335 : i32
        %add3A_337 = arith.constant 3 : i32
        %add3A_338 = arith.addi %mul3A_336, %add3A_337 : i32
        %mul3A_339 = arith.constant 16 : i32
        %mul3A_340 = arith.muli %add3A_338, %mul3A_339 : i32
        %get3A_341 = arith.index_cast %mul3A_340 : i32 to index
        %get3A_342 = tpu.vector_load %arg5[%get3A_341] {strides = array<i32>} : memref<4096xf32, #tpu.memory_space<vmem>>, vector<16xf32>,
        %mul3A_343 = arith.constant 16 : i32
        %mul3A_344 = arith.muli %add3A_338, %mul3A_343 : i32
        %get3A_345 = arith.index_cast %mul3A_344 : i32 to index
        %get3A_346 = tpu.vector_load %arg6[%get3A_345] {strides = array<i32>} : memref<4096xf32, #tpu.memory_space<vmem>>, vector<16xf32>,
        %mul3A_347 = arith.constant 16 : i32
        %mul3A_348 = arith.muli %add3A_338, %mul3A_347 : i32
        %get3A_349 = arith.index_cast %mul3A_348 : i32 to index
        %get3A_350 = tpu.vector_load %arg7[%get3A_349] {strides = array<i32>} : memref<4096xf32, #tpu.memory_space<vmem>>, vector<16xf32>,
        %sub3A_351 = arith.subf %get3A_342, %gather3A_54 : vector<16xf32>
        %sub3A_352 = arith.subf %get3A_346, %gather3A_55 : vector<16xf32>
        %sub3A_353 = arith.subf %get3A_350, %gather3A_56 : vector<16xf32>
        %mul3A_354 = arith.mulf %sub3A_351, %sub3A_351 : vector<16xf32>
        %mul3A_355 = arith.mulf %sub3A_352, %sub3A_352 : vector<16xf32>
        %add3A_356 = arith.addf %mul3A_354, %mul3A_355 : vector<16xf32>
        %mul3A_357 = arith.mulf %sub3A_353, %sub3A_353 : vector<16xf32>
        %add3A_358 = arith.addf %add3A_356, %mul3A_357 : vector<16xf32>
        %mul3A_359 = arith.constant 16 : i32
        %mul3A_360 = arith.muli %add3A_338, %mul3A_359 : i32
        %add3A_361 = vector.broadcast %mul3A_360 : i32 to vector<16xi32>
        %add3A_362 = arith.addi %iota3A, %add3A_361 : vector<16xi32>
        %mul3A_363 = arith.constant 8 : i32
        %mul3A_364 = arith.muli %scan3A_244, %mul3A_363 : i32
        %add3A_365 = arith.constant 4 : i32
        %add3A_366 = arith.addi %mul3A_364, %add3A_365 : i32
        %mul3A_367 = arith.constant 16 : i32
        %mul3A_368 = arith.muli %add3A_366, %mul3A_367 : i32
        %get3A_369 = arith.index_cast %mul3A_368 : i32 to index
        %get3A_370 = tpu.vector_load %arg5[%get3A_369] {strides = array<i32>} : memref<4096xf32, #tpu.memory_space<vmem>>, vector<16xf32>,
        %mul3A_371 = arith.constant 16 : i32
        %mul3A_372 = arith.muli %add3A_366, %mul3A_371 : i32
        %get3A_373 = arith.index_cast %mul3A_372 : i32 to index
        %get3A_374 = tpu.vector_load %arg6[%get3A_373] {strides = array<i32>} : memref<4096xf32, #tpu.memory_space<vmem>>, vector<16xf32>,
        %mul3A_375 = arith.constant 16 : i32
        %mul3A_376 = arith.muli %add3A_366, %mul3A_375 : i32
        %get3A_377 = arith.index_cast %mul3A_376 : i32 to index
        %get3A_378 = tpu.vector_load %arg7[%get3A_377] {strides = array<i32>} : memref<4096xf32, #tpu.memory_space<vmem>>, vector<16xf32>,
        %sub3A_379 = arith.subf %get3A_370, %gather3A_54 : vector<16xf32>
        %sub3A_380 = arith.subf %get3A_374, %gather3A_55 : vector<16xf32>
        %sub3A_381 = arith.subf %get3A_378, %gather3A_56 : vector<16xf32>
        %mul3A_382 = arith.mulf %sub3A_379, %sub3A_379 : vector<16xf32>
        %mul3A_383 = arith.mulf %sub3A_380, %sub3A_380 : vector<16xf32>
        %add3A_384 = arith.addf %mul3A_382, %mul3A_383 : vector<16xf32>
        %mul3A_385 = arith.mulf %sub3A_381, %sub3A_381 : vector<16xf32>
        %add3A_386 = arith.addf %add3A_384, %mul3A_385 : vector<16xf32>
        %mul3A_387 = arith.constant 16 : i32
        %mul3A_388 = arith.muli %add3A_366, %mul3A_387 : i32
        %add3A_389 = vector.broadcast %mul3A_388 : i32 to vector<16xi32>
        %add3A_390 = arith.addi %iota3A, %add3A_389 : vector<16xi32>
        %mul3A_391 = arith.constant 8 : i32
        %mul3A_392 = arith.muli %scan3A_244, %mul3A_391 : i32
        %add3A_393 = arith.constant 5 : i32
        %add3A_394 = arith.addi %mul3A_392, %add3A_393 : i32
        %mul3A_395 = arith.constant 16 : i32
        %mul3A_396 = arith.muli %add3A_394, %mul3A_395 : i32
        %get3A_397 = arith.index_cast %mul3A_396 : i32 to index
        %get3A_398 = tpu.vector_load %arg5[%get3A_397] {strides = array<i32>} : memref<4096xf32, #tpu.memory_space<vmem>>, vector<16xf32>,
        %mul3A_399 = arith.constant 16 : i32
        %mul3A_400 = arith.muli %add3A_394, %mul3A_399 : i32
        %get3A_401 = arith.index_cast %mul3A_400 : i32 to index
        %get3A_402 = tpu.vector_load %arg6[%get3A_401] {strides = array<i32>} : memref<4096xf32, #tpu.memory_space<vmem>>, vector<16xf32>,
        %mul3A_403 = arith.constant 16 : i32
        %mul3A_404 = arith.muli %add3A_394, %mul3A_403 : i32
        %get3A_405 = arith.index_cast %mul3A_404 : i32 to index
        %get3A_406 = tpu.vector_load %arg7[%get3A_405] {strides = array<i32>} : memref<4096xf32, #tpu.memory_space<vmem>>, vector<16xf32>,
        %sub3A_407 = arith.subf %get3A_398, %gather3A_54 : vector<16xf32>
        %sub3A_408 = arith.subf %get3A_402, %gather3A_55 : vector<16xf32>
        %sub3A_409 = arith.subf %get3A_406, %gather3A_56 : vector<16xf32>
        %mul3A_410 = arith.mulf %sub3A_407, %sub3A_407 : vector<16xf32>
        %mul3A_411 = arith.mulf %sub3A_408, %sub3A_408 : vector<16xf32>
        %add3A_412 = arith.addf %mul3A_410, %mul3A_411 : vector<16xf32>
        %mul3A_413 = arith.mulf %sub3A_409, %sub3A_409 : vector<16xf32>
        %add3A_414 = arith.addf %add3A_412, %mul3A_413 : vector<16xf32>
        %mul3A_415 = arith.constant 16 : i32
        %mul3A_416 = arith.muli %add3A_394, %mul3A_415 : i32
        %add3A_417 = vector.broadcast %mul3A_416 : i32 to vector<16xi32>
        %add3A_418 = arith.addi %iota3A, %add3A_417 : vector<16xi32>
        %mul3A_419 = arith.constant 8 : i32
        %mul3A_420 = arith.muli %scan3A_244, %mul3A_419 : i32
        %add3A_421 = arith.constant 6 : i32
        %add3A_422 = arith.addi %mul3A_420, %add3A_421 : i32
        %mul3A_423 = arith.constant 16 : i32
        %mul3A_424 = arith.muli %add3A_422, %mul3A_423 : i32
        %get3A_425 = arith.index_cast %mul3A_424 : i32 to index
        %get3A_426 = tpu.vector_load %arg5[%get3A_425] {strides = array<i32>} : memref<4096xf32, #tpu.memory_space<vmem>>, vector<16xf32>,
        %mul3A_427 = arith.constant 16 : i32
        %mul3A_428 = arith.muli %add3A_422, %mul3A_427 : i32
        %get3A_429 = arith.index_cast %mul3A_428 : i32 to index
        %get3A_430 = tpu.vector_load %arg6[%get3A_429] {strides = array<i32>} : memref<4096xf32, #tpu.memory_space<vmem>>, vector<16xf32>,
        %mul3A_431 = arith.constant 16 : i32
        %mul3A_432 = arith.muli %add3A_422, %mul3A_431 : i32
        %get3A_433 = arith.index_cast %mul3A_432 : i32 to index
        %get3A_434 = tpu.vector_load %arg7[%get3A_433] {strides = array<i32>} : memref<4096xf32, #tpu.memory_space<vmem>>, vector<16xf32>,
        %sub3A_435 = arith.subf %get3A_426, %gather3A_54 : vector<16xf32>
        %sub3A_436 = arith.subf %get3A_430, %gather3A_55 : vector<16xf32>
        %sub3A_437 = arith.subf %get3A_434, %gather3A_56 : vector<16xf32>
        %mul3A_438 = arith.mulf %sub3A_435, %sub3A_435 : vector<16xf32>
        %mul3A_439 = arith.mulf %sub3A_436, %sub3A_436 : vector<16xf32>
        %add3A_440 = arith.addf %mul3A_438, %mul3A_439 : vector<16xf32>
        %mul3A_441 = arith.mulf %sub3A_437, %sub3A_437 : vector<16xf32>
        %add3A_442 = arith.addf %add3A_440, %mul3A_441 : vector<16xf32>
        %mul3A_443 = arith.constant 16 : i32
        %mul3A_444 = arith.muli %add3A_422, %mul3A_443 : i32
        %add3A_445 = vector.broadcast %mul3A_444 : i32 to vector<16xi32>
        %add3A_446 = arith.addi %iota3A, %add3A_445 : vector<16xi32>
        %mul3A_447 = arith.constant 8 : i32
        %mul3A_448 = arith.muli %scan3A_244, %mul3A_447 : i32
        %add3A_449 = arith.constant 7 : i32
        %add3A_450 = arith.addi %mul3A_448, %add3A_449 : i32
        %mul3A_451 = arith.constant 16 : i32
        %mul3A_452 = arith.muli %add3A_450, %mul3A_451 : i32
        %get3A_453 = arith.index_cast %mul3A_452 : i32 to index
        %get3A_454 = tpu.vector_load %arg5[%get3A_453] {strides = array<i32>} : memref<4096xf32, #tpu.memory_space<vmem>>, vector<16xf32>,
        %mul3A_455 = arith.constant 16 : i32
        %mul3A_456 = arith.muli %add3A_450, %mul3A_455 : i32
        %get3A_457 = arith.index_cast %mul3A_456 : i32 to index
        %get3A_458 = tpu.vector_load %arg6[%get3A_457] {strides = array<i32>} : memref<4096xf32, #tpu.memory_space<vmem>>, vector<16xf32>,
        %mul3A_459 = arith.constant 16 : i32
        %mul3A_460 = arith.muli %add3A_450, %mul3A_459 : i32
        %get3A_461 = arith.index_cast %mul3A_460 : i32 to index
        %get3A_462 = tpu.vector_load %arg7[%get3A_461] {strides = array<i32>} : memref<4096xf32, #tpu.memory_space<vmem>>, vector<16xf32>,
        %sub3A_463 = arith.subf %get3A_454, %gather3A_54 : vector<16xf32>
        %sub3A_464 = arith.subf %get3A_458, %gather3A_55 : vector<16xf32>
        %sub3A_465 = arith.subf %get3A_462, %gather3A_56 : vector<16xf32>
        %mul3A_466 = arith.mulf %sub3A_463, %sub3A_463 : vector<16xf32>
        %mul3A_467 = arith.mulf %sub3A_464, %sub3A_464 : vector<16xf32>
        %add3A_468 = arith.addf %mul3A_466, %mul3A_467 : vector<16xf32>
        %mul3A_469 = arith.mulf %sub3A_465, %sub3A_465 : vector<16xf32>
        %add3A_470 = arith.addf %add3A_468, %mul3A_469 : vector<16xf32>
        %mul3A_471 = arith.constant 16 : i32
        %mul3A_472 = arith.muli %add3A_450, %mul3A_471 : i32
        %add3A_473 = vector.broadcast %mul3A_472 : i32 to vector<16xi32>
        %add3A_474 = arith.addi %iota3A, %add3A_473 : vector<16xi32>
        %reduce_max3A = arith.constant true
        %reduce_max3A_475 = vector.broadcast %reduce_max3A : i1 to vector<16xi1>
        %reduce_max3A_476 = arith.constant -2147483648 : i32
        %reduce_max3A_477 = vector.broadcast %reduce_max3A_476 : i32 to vector<16xi32>
        %reduce_max3A_478 = arith.xori %scan3A_245, %reduce_max3A_477 : vector<16xi32>
        %reduce_max3A_479 = tpu.scan <max>, %reduce_max3A_478 masked %reduce_max3A_475 : vector<16xi32>, vector<16xi1> -> vector<16xi32>
        %reduce_max3A_480 = arith.xori %reduce_max3A_479, %reduce_max3A_477 : vector<16xi32>
        %reduce_max3A_481 = vector.extract %reduce_max3A_480[15] : i32 from vector<16xi32>
        %lt3A_482 = arith.constant 16 : i32
        %lt3A_483 = arith.cmpi slt, %reduce_max3A_481, %lt3A_482 : i32
        %convert_element_type3A = arith.extui %lt3A_483 : i1 to i32
        %cond3A = arith.constant 0 : i32
        %cond3A_484 = arith.cmpi ne, %convert_element_type3A, %cond3A : i32
        %cond3A_485:2 = scf.if %cond3A_484 -> (vector<16xi32>, vector<16xi32>) {
          %le3A = arith.constant 0.00999999977 : f32
          %le3A_514 = vector.broadcast %le3A : f32 to vector<16xf32>
          %le3A_515 = arith.cmpf ole, %add3A_274, %le3A_514 : vector<16xf32>
          %convert_element_type3A_516 = arith.extui %le3A_515 : vector<16xi1> to vector<16xi32>
          %cumsum3A = arith.constant true
          %cumsum3A_517 = vector.broadcast %cumsum3A : i1 to vector<16xi1>
          %cumsum3A_518 = tpu.scan <sum>, %convert_element_type3A_516 masked %cumsum3A_517 : vector<16xi32>, vector<16xi1> -> vector<16xi32>
          %add3A_519 = arith.addi %scan3A_245, %cumsum3A_518 : vector<16xi32>
          %sub3A_520 = arith.constant 1 : i32
          %sub3A_521 = vector.broadcast %sub3A_520 : i32 to vector<16xi32>
          %sub3A_522 = arith.subi %add3A_519, %sub3A_521 : vector<16xi32>
          %lt3A_523 = arith.constant 16 : i32
          %lt3A_524 = vector.broadcast %lt3A_523 : i32 to vector<16xi32>
          %lt3A_525 = arith.cmpi slt, %sub3A_522, %lt3A_524 : vector<16xi32>
          %and3A_526 = arith.andi %le3A_515, %lt3A_525 : vector<16xi1>
          %max3A = arith.constant 0 : i32
          %max3A_527 = vector.broadcast %max3A : i32 to vector<16xi32>
          %max3A_528 = arith.maxsi %sub3A_522, %max3A_527 : vector<16xi32>
          %min3A = arith.constant 15 : i32
          %min3A_529 = vector.broadcast %min3A : i32 to vector<16xi32>
          %min3A_530 = arith.minsi %max3A_528, %min3A_529 : vector<16xi32>
          tpu.vector_store_idx %arg10[%min3A_530], %add3A_278 masked %and3A_526 : memref<16xi32, #tpu.memory_space<vmem>>[vector<16xi32>], vector<16xi32>, vector<16xi1>
          %all_reduce_population_count3A = tpu.all_reduce %le3A_515 {dim = 0 : i64, kind = #tpu.reduction_kind<sum>} : vector<16xi1> -> vector<16xi32>
          %add3A_531 = arith.addi %scan3A_245, %all_reduce_population_count3A : vector<16xi32>
          %jit3A_532 = arith.constant 4095 : i32
          %broadcast_in_dim3A_533 = vector.broadcast %jit3A_532 : i32 to vector<16xi32>
          %select_n3A_534 = arith.select %le3A_515, %add3A_278, %broadcast_in_dim3A_533 : vector<16xi1>, vector<16xi32>
          %min3A_535 = arith.minsi %scan3A_248, %select_n3A_534 : vector<16xi32>
          %le3A_536 = arith.constant 0.00999999977 : f32
          %le3A_537 = vector.broadcast %le3A_536 : f32 to vector<16xf32>
          %le3A_538 = arith.cmpf ole, %add3A_302, %le3A_537 : vector<16xf32>
          %convert_element_type3A_539 = arith.extui %le3A_538 : vector<16xi1> to vector<16xi32>
          %cumsum3A_540 = arith.constant true
          %cumsum3A_541 = vector.broadcast %cumsum3A_540 : i1 to vector<16xi1>
          %cumsum3A_542 = tpu.scan <sum>, %convert_element_type3A_539 masked %cumsum3A_541 : vector<16xi32>, vector<16xi1> -> vector<16xi32>
          %add3A_543 = arith.addi %add3A_531, %cumsum3A_542 : vector<16xi32>
          %sub3A_544 = arith.constant 1 : i32
          %sub3A_545 = vector.broadcast %sub3A_544 : i32 to vector<16xi32>
          %sub3A_546 = arith.subi %add3A_543, %sub3A_545 : vector<16xi32>
          %lt3A_547 = arith.constant 16 : i32
          %lt3A_548 = vector.broadcast %lt3A_547 : i32 to vector<16xi32>
          %lt3A_549 = arith.cmpi slt, %sub3A_546, %lt3A_548 : vector<16xi32>
          %and3A_550 = arith.andi %le3A_538, %lt3A_549 : vector<16xi1>
          %max3A_551 = arith.constant 0 : i32
          %max3A_552 = vector.broadcast %max3A_551 : i32 to vector<16xi32>
          %max3A_553 = arith.maxsi %sub3A_546, %max3A_552 : vector<16xi32>
          %min3A_554 = arith.constant 15 : i32
          %min3A_555 = vector.broadcast %min3A_554 : i32 to vector<16xi32>
          %min3A_556 = arith.minsi %max3A_553, %min3A_555 : vector<16xi32>
          tpu.vector_store_idx %arg10[%min3A_556], %add3A_306 masked %and3A_550 : memref<16xi32, #tpu.memory_space<vmem>>[vector<16xi32>], vector<16xi32>, vector<16xi1>
          %all_reduce_population_count3A_557 = tpu.all_reduce %le3A_538 {dim = 0 : i64, kind = #tpu.reduction_kind<sum>} : vector<16xi1> -> vector<16xi32>
          %add3A_558 = arith.addi %add3A_531, %all_reduce_population_count3A_557 : vector<16xi32>
          %jit3A_559 = arith.constant 4095 : i32
          %broadcast_in_dim3A_560 = vector.broadcast %jit3A_559 : i32 to vector<16xi32>
          %select_n3A_561 = arith.select %le3A_538, %add3A_306, %broadcast_in_dim3A_560 : vector<16xi1>, vector<16xi32>
          %min3A_562 = arith.minsi %min3A_535, %select_n3A_561 : vector<16xi32>
          %le3A_563 = arith.constant 0.00999999977 : f32
          %le3A_564 = vector.broadcast %le3A_563 : f32 to vector<16xf32>
          %le3A_565 = arith.cmpf ole, %add3A_330, %le3A_564 : vector<16xf32>
          %convert_element_type3A_566 = arith.extui %le3A_565 : vector<16xi1> to vector<16xi32>
          %cumsum3A_567 = arith.constant true
          %cumsum3A_568 = vector.broadcast %cumsum3A_567 : i1 to vector<16xi1>
          %cumsum3A_569 = tpu.scan <sum>, %convert_element_type3A_566 masked %cumsum3A_568 : vector<16xi32>, vector<16xi1> -> vector<16xi32>
          %add3A_570 = arith.addi %add3A_558, %cumsum3A_569 : vector<16xi32>
          %sub3A_571 = arith.constant 1 : i32
          %sub3A_572 = vector.broadcast %sub3A_571 : i32 to vector<16xi32>
          %sub3A_573 = arith.subi %add3A_570, %sub3A_572 : vector<16xi32>
          %lt3A_574 = arith.constant 16 : i32
          %lt3A_575 = vector.broadcast %lt3A_574 : i32 to vector<16xi32>
          %lt3A_576 = arith.cmpi slt, %sub3A_573, %lt3A_575 : vector<16xi32>
          %and3A_577 = arith.andi %le3A_565, %lt3A_576 : vector<16xi1>
          %max3A_578 = arith.constant 0 : i32
          %max3A_579 = vector.broadcast %max3A_578 : i32 to vector<16xi32>
          %max3A_580 = arith.maxsi %sub3A_573, %max3A_579 : vector<16xi32>
          %min3A_581 = arith.constant 15 : i32
          %min3A_582 = vector.broadcast %min3A_581 : i32 to vector<16xi32>
          %min3A_583 = arith.minsi %max3A_580, %min3A_582 : vector<16xi32>
          tpu.vector_store_idx %arg10[%min3A_583], %add3A_334 masked %and3A_577 : memref<16xi32, #tpu.memory_space<vmem>>[vector<16xi32>], vector<16xi32>, vector<16xi1>
          %all_reduce_population_count3A_584 = tpu.all_reduce %le3A_565 {dim = 0 : i64, kind = #tpu.reduction_kind<sum>} : vector<16xi1> -> vector<16xi32>
          %add3A_585 = arith.addi %add3A_558, %all_reduce_population_count3A_584 : vector<16xi32>
          %jit3A_586 = arith.constant 4095 : i32
          %broadcast_in_dim3A_587 = vector.broadcast %jit3A_586 : i32 to vector<16xi32>
          %select_n3A_588 = arith.select %le3A_565, %add3A_334, %broadcast_in_dim3A_587 : vector<16xi1>, vector<16xi32>
          %min3A_589 = arith.minsi %min3A_562, %select_n3A_588 : vector<16xi32>
          %le3A_590 = arith.constant 0.00999999977 : f32
          %le3A_591 = vector.broadcast %le3A_590 : f32 to vector<16xf32>
          %le3A_592 = arith.cmpf ole, %add3A_358, %le3A_591 : vector<16xf32>
          %convert_element_type3A_593 = arith.extui %le3A_592 : vector<16xi1> to vector<16xi32>
          %cumsum3A_594 = arith.constant true
          %cumsum3A_595 = vector.broadcast %cumsum3A_594 : i1 to vector<16xi1>
          %cumsum3A_596 = tpu.scan <sum>, %convert_element_type3A_593 masked %cumsum3A_595 : vector<16xi32>, vector<16xi1> -> vector<16xi32>
          %add3A_597 = arith.addi %add3A_585, %cumsum3A_596 : vector<16xi32>
          %sub3A_598 = arith.constant 1 : i32
          %sub3A_599 = vector.broadcast %sub3A_598 : i32 to vector<16xi32>
          %sub3A_600 = arith.subi %add3A_597, %sub3A_599 : vector<16xi32>
          %lt3A_601 = arith.constant 16 : i32
          %lt3A_602 = vector.broadcast %lt3A_601 : i32 to vector<16xi32>
          %lt3A_603 = arith.cmpi slt, %sub3A_600, %lt3A_602 : vector<16xi32>
          %and3A_604 = arith.andi %le3A_592, %lt3A_603 : vector<16xi1>
          %max3A_605 = arith.constant 0 : i32
          %max3A_606 = vector.broadcast %max3A_605 : i32 to vector<16xi32>
          %max3A_607 = arith.maxsi %sub3A_600, %max3A_606 : vector<16xi32>
          %min3A_608 = arith.constant 15 : i32
          %min3A_609 = vector.broadcast %min3A_608 : i32 to vector<16xi32>
          %min3A_610 = arith.minsi %max3A_607, %min3A_609 : vector<16xi32>
          tpu.vector_store_idx %arg10[%min3A_610], %add3A_362 masked %and3A_604 : memref<16xi32, #tpu.memory_space<vmem>>[vector<16xi32>], vector<16xi32>, vector<16xi1>
          %all_reduce_population_count3A_611 = tpu.all_reduce %le3A_592 {dim = 0 : i64, kind = #tpu.reduction_kind<sum>} : vector<16xi1> -> vector<16xi32>
          %add3A_612 = arith.addi %add3A_585, %all_reduce_population_count3A_611 : vector<16xi32>
          %jit3A_613 = arith.constant 4095 : i32
          %broadcast_in_dim3A_614 = vector.broadcast %jit3A_613 : i32 to vector<16xi32>
          %select_n3A_615 = arith.select %le3A_592, %add3A_362, %broadcast_in_dim3A_614 : vector<16xi1>, vector<16xi32>
          %min3A_616 = arith.minsi %min3A_589, %select_n3A_615 : vector<16xi32>
          %le3A_617 = arith.constant 0.00999999977 : f32
          %le3A_618 = vector.broadcast %le3A_617 : f32 to vector<16xf32>
          %le3A_619 = arith.cmpf ole, %add3A_386, %le3A_618 : vector<16xf32>
          %convert_element_type3A_620 = arith.extui %le3A_619 : vector<16xi1> to vector<16xi32>
          %cumsum3A_621 = arith.constant true
          %cumsum3A_622 = vector.broadcast %cumsum3A_621 : i1 to vector<16xi1>
          %cumsum3A_623 = tpu.scan <sum>, %convert_element_type3A_620 masked %cumsum3A_622 : vector<16xi32>, vector<16xi1> -> vector<16xi32>
          %add3A_624 = arith.addi %add3A_612, %cumsum3A_623 : vector<16xi32>
          %sub3A_625 = arith.constant 1 : i32
          %sub3A_626 = vector.broadcast %sub3A_625 : i32 to vector<16xi32>
          %sub3A_627 = arith.subi %add3A_624, %sub3A_626 : vector<16xi32>
          %lt3A_628 = arith.constant 16 : i32
          %lt3A_629 = vector.broadcast %lt3A_628 : i32 to vector<16xi32>
          %lt3A_630 = arith.cmpi slt, %sub3A_627, %lt3A_629 : vector<16xi32>
          %and3A_631 = arith.andi %le3A_619, %lt3A_630 : vector<16xi1>
          %max3A_632 = arith.constant 0 : i32
          %max3A_633 = vector.broadcast %max3A_632 : i32 to vector<16xi32>
          %max3A_634 = arith.maxsi %sub3A_627, %max3A_633 : vector<16xi32>
          %min3A_635 = arith.constant 15 : i32
          %min3A_636 = vector.broadcast %min3A_635 : i32 to vector<16xi32>
          %min3A_637 = arith.minsi %max3A_634, %min3A_636 : vector<16xi32>
          tpu.vector_store_idx %arg10[%min3A_637], %add3A_390 masked %and3A_631 : memref<16xi32, #tpu.memory_space<vmem>>[vector<16xi32>], vector<16xi32>, vector<16xi1>
          %all_reduce_population_count3A_638 = tpu.all_reduce %le3A_619 {dim = 0 : i64, kind = #tpu.reduction_kind<sum>} : vector<16xi1> -> vector<16xi32>
          %add3A_639 = arith.addi %add3A_612, %all_reduce_population_count3A_638 : vector<16xi32>
          %jit3A_640 = arith.constant 4095 : i32
          %broadcast_in_dim3A_641 = vector.broadcast %jit3A_640 : i32 to vector<16xi32>
          %select_n3A_642 = arith.select %le3A_619, %add3A_390, %broadcast_in_dim3A_641 : vector<16xi1>, vector<16xi32>
          %min3A_643 = arith.minsi %min3A_616, %select_n3A_642 : vector<16xi32>
          %le3A_644 = arith.constant 0.00999999977 : f32
          %le3A_645 = vector.broadcast %le3A_644 : f32 to vector<16xf32>
          %le3A_646 = arith.cmpf ole, %add3A_414, %le3A_645 : vector<16xf32>
          %convert_element_type3A_647 = arith.extui %le3A_646 : vector<16xi1> to vector<16xi32>
          %cumsum3A_648 = arith.constant true
          %cumsum3A_649 = vector.broadcast %cumsum3A_648 : i1 to vector<16xi1>
          %cumsum3A_650 = tpu.scan <sum>, %convert_element_type3A_647 masked %cumsum3A_649 : vector<16xi32>, vector<16xi1> -> vector<16xi32>
          %add3A_651 = arith.addi %add3A_639, %cumsum3A_650 : vector<16xi32>
          %sub3A_652 = arith.constant 1 : i32
          %sub3A_653 = vector.broadcast %sub3A_652 : i32 to vector<16xi32>
          %sub3A_654 = arith.subi %add3A_651, %sub3A_653 : vector<16xi32>
          %lt3A_655 = arith.constant 16 : i32
          %lt3A_656 = vector.broadcast %lt3A_655 : i32 to vector<16xi32>
          %lt3A_657 = arith.cmpi slt, %sub3A_654, %lt3A_656 : vector<16xi32>
          %and3A_658 = arith.andi %le3A_646, %lt3A_657 : vector<16xi1>
          %max3A_659 = arith.constant 0 : i32
          %max3A_660 = vector.broadcast %max3A_659 : i32 to vector<16xi32>
          %max3A_661 = arith.maxsi %sub3A_654, %max3A_660 : vector<16xi32>
          %min3A_662 = arith.constant 15 : i32
          %min3A_663 = vector.broadcast %min3A_662 : i32 to vector<16xi32>
          %min3A_664 = arith.minsi %max3A_661, %min3A_663 : vector<16xi32>
          tpu.vector_store_idx %arg10[%min3A_664], %add3A_418 masked %and3A_658 : memref<16xi32, #tpu.memory_space<vmem>>[vector<16xi32>], vector<16xi32>, vector<16xi1>
          %all_reduce_population_count3A_665 = tpu.all_reduce %le3A_646 {dim = 0 : i64, kind = #tpu.reduction_kind<sum>} : vector<16xi1> -> vector<16xi32>
          %add3A_666 = arith.addi %add3A_639, %all_reduce_population_count3A_665 : vector<16xi32>
          %jit3A_667 = arith.constant 4095 : i32
          %broadcast_in_dim3A_668 = vector.broadcast %jit3A_667 : i32 to vector<16xi32>
          %select_n3A_669 = arith.select %le3A_646, %add3A_418, %broadcast_in_dim3A_668 : vector<16xi1>, vector<16xi32>
          %min3A_670 = arith.minsi %min3A_643, %select_n3A_669 : vector<16xi32>
          %le3A_671 = arith.constant 0.00999999977 : f32
          %le3A_672 = vector.broadcast %le3A_671 : f32 to vector<16xf32>
          %le3A_673 = arith.cmpf ole, %add3A_442, %le3A_672 : vector<16xf32>
          %convert_element_type3A_674 = arith.extui %le3A_673 : vector<16xi1> to vector<16xi32>
          %cumsum3A_675 = arith.constant true
          %cumsum3A_676 = vector.broadcast %cumsum3A_675 : i1 to vector<16xi1>
          %cumsum3A_677 = tpu.scan <sum>, %convert_element_type3A_674 masked %cumsum3A_676 : vector<16xi32>, vector<16xi1> -> vector<16xi32>
          %add3A_678 = arith.addi %add3A_666, %cumsum3A_677 : vector<16xi32>
          %sub3A_679 = arith.constant 1 : i32
          %sub3A_680 = vector.broadcast %sub3A_679 : i32 to vector<16xi32>
          %sub3A_681 = arith.subi %add3A_678, %sub3A_680 : vector<16xi32>
          %lt3A_682 = arith.constant 16 : i32
          %lt3A_683 = vector.broadcast %lt3A_682 : i32 to vector<16xi32>
          %lt3A_684 = arith.cmpi slt, %sub3A_681, %lt3A_683 : vector<16xi32>
          %and3A_685 = arith.andi %le3A_673, %lt3A_684 : vector<16xi1>
          %max3A_686 = arith.constant 0 : i32
          %max3A_687 = vector.broadcast %max3A_686 : i32 to vector<16xi32>
          %max3A_688 = arith.maxsi %sub3A_681, %max3A_687 : vector<16xi32>
          %min3A_689 = arith.constant 15 : i32
          %min3A_690 = vector.broadcast %min3A_689 : i32 to vector<16xi32>
          %min3A_691 = arith.minsi %max3A_688, %min3A_690 : vector<16xi32>
          tpu.vector_store_idx %arg10[%min3A_691], %add3A_446 masked %and3A_685 : memref<16xi32, #tpu.memory_space<vmem>>[vector<16xi32>], vector<16xi32>, vector<16xi1>
          %all_reduce_population_count3A_692 = tpu.all_reduce %le3A_673 {dim = 0 : i64, kind = #tpu.reduction_kind<sum>} : vector<16xi1> -> vector<16xi32>
          %add3A_693 = arith.addi %add3A_666, %all_reduce_population_count3A_692 : vector<16xi32>
          %jit3A_694 = arith.constant 4095 : i32
          %broadcast_in_dim3A_695 = vector.broadcast %jit3A_694 : i32 to vector<16xi32>
          %select_n3A_696 = arith.select %le3A_673, %add3A_446, %broadcast_in_dim3A_695 : vector<16xi1>, vector<16xi32>
          %min3A_697 = arith.minsi %min3A_670, %select_n3A_696 : vector<16xi32>
          %le3A_698 = arith.constant 0.00999999977 : f32
          %le3A_699 = vector.broadcast %le3A_698 : f32 to vector<16xf32>
          %le3A_700 = arith.cmpf ole, %add3A_470, %le3A_699 : vector<16xf32>
          %convert_element_type3A_701 = arith.extui %le3A_700 : vector<16xi1> to vector<16xi32>
          %cumsum3A_702 = arith.constant true
          %cumsum3A_703 = vector.broadcast %cumsum3A_702 : i1 to vector<16xi1>
          %cumsum3A_704 = tpu.scan <sum>, %convert_element_type3A_701 masked %cumsum3A_703 : vector<16xi32>, vector<16xi1> -> vector<16xi32>
          %add3A_705 = arith.addi %add3A_693, %cumsum3A_704 : vector<16xi32>
          %sub3A_706 = arith.constant 1 : i32
          %sub3A_707 = vector.broadcast %sub3A_706 : i32 to vector<16xi32>
          %sub3A_708 = arith.subi %add3A_705, %sub3A_707 : vector<16xi32>
          %lt3A_709 = arith.constant 16 : i32
          %lt3A_710 = vector.broadcast %lt3A_709 : i32 to vector<16xi32>
          %lt3A_711 = arith.cmpi slt, %sub3A_708, %lt3A_710 : vector<16xi32>
          %and3A_712 = arith.andi %le3A_700, %lt3A_711 : vector<16xi1>
          %max3A_713 = arith.constant 0 : i32
          %max3A_714 = vector.broadcast %max3A_713 : i32 to vector<16xi32>
          %max3A_715 = arith.maxsi %sub3A_708, %max3A_714 : vector<16xi32>
          %min3A_716 = arith.constant 15 : i32
          %min3A_717 = vector.broadcast %min3A_716 : i32 to vector<16xi32>
          %min3A_718 = arith.minsi %max3A_715, %min3A_717 : vector<16xi32>
          tpu.vector_store_idx %arg10[%min3A_718], %add3A_474 masked %and3A_712 : memref<16xi32, #tpu.memory_space<vmem>>[vector<16xi32>], vector<16xi32>, vector<16xi1>
          %all_reduce_population_count3A_719 = tpu.all_reduce %le3A_700 {dim = 0 : i64, kind = #tpu.reduction_kind<sum>} : vector<16xi1> -> vector<16xi32>
          %add3A_720 = arith.addi %add3A_693, %all_reduce_population_count3A_719 : vector<16xi32>
          %jit3A_721 = arith.constant 4095 : i32
          %broadcast_in_dim3A_722 = vector.broadcast %jit3A_721 : i32 to vector<16xi32>
          %select_n3A_723 = arith.select %le3A_700, %add3A_474, %broadcast_in_dim3A_722 : vector<16xi1>, vector<16xi32>
          %min3A_724 = arith.minsi %min3A_697, %select_n3A_723 : vector<16xi32>
          scf.yield %add3A_720, %min3A_724 : vector<16xi32>, vector<16xi32>
        } else {
          scf.yield %scan3A_245, %scan3A_248 : vector<16xi32>, vector<16xi32>
        }
        %reduce_max3A_486 = arith.constant true
        %reduce_max3A_487 = vector.broadcast %reduce_max3A_486 : i1 to vector<16xi1>
        %reduce_max3A_488 = arith.constant -2147483648 : i32
        %reduce_max3A_489 = vector.broadcast %reduce_max3A_488 : i32 to vector<16xi32>
        %reduce_max3A_490 = arith.xori %scan3A_246, %reduce_max3A_489 : vector<16xi32>
        %reduce_max3A_491 = tpu.scan <max>, %reduce_max3A_490 masked %reduce_max3A_487 : vector<16xi32>, vector<16xi1> -> vector<16xi32>
        %reduce_max3A_492 = arith.xori %reduce_max3A_491, %reduce_max3A_489 : vector<16xi32>
        %reduce_max3A_493 = vector.extract %reduce_max3A_492[15] : i32 from vector<16xi32>
        %lt3A_494 = arith.constant 32 : i32
        %lt3A_495 = arith.cmpi slt, %reduce_max3A_493, %lt3A_494 : i32
        %convert_element_type3A_496 = arith.extui %lt3A_495 : i1 to i32
        %cond3A_497 = arith.constant 0 : i32
        %cond3A_498 = arith.cmpi ne, %convert_element_type3A_496, %cond3A_497 : i32
        %cond3A_499:2 = scf.if %cond3A_498 -> (vector<16xi32>, vector<16xi32>) {
          %le3A = arith.constant 4.000000e-02 : f32
          %le3A_514 = vector.broadcast %le3A : f32 to vector<16xf32>
          %le3A_515 = arith.cmpf ole, %add3A_274, %le3A_514 : vector<16xf32>
          %convert_element_type3A_516 = arith.extui %le3A_515 : vector<16xi1> to vector<16xi32>
          %cumsum3A = arith.constant true
          %cumsum3A_517 = vector.broadcast %cumsum3A : i1 to vector<16xi1>
          %cumsum3A_518 = tpu.scan <sum>, %convert_element_type3A_516 masked %cumsum3A_517 : vector<16xi32>, vector<16xi1> -> vector<16xi32>
          %add3A_519 = arith.addi %scan3A_246, %cumsum3A_518 : vector<16xi32>
          %sub3A_520 = arith.constant 1 : i32
          %sub3A_521 = vector.broadcast %sub3A_520 : i32 to vector<16xi32>
          %sub3A_522 = arith.subi %add3A_519, %sub3A_521 : vector<16xi32>
          %lt3A_523 = arith.constant 32 : i32
          %lt3A_524 = vector.broadcast %lt3A_523 : i32 to vector<16xi32>
          %lt3A_525 = arith.cmpi slt, %sub3A_522, %lt3A_524 : vector<16xi32>
          %and3A_526 = arith.andi %le3A_515, %lt3A_525 : vector<16xi1>
          %max3A = arith.constant 0 : i32
          %max3A_527 = vector.broadcast %max3A : i32 to vector<16xi32>
          %max3A_528 = arith.maxsi %sub3A_522, %max3A_527 : vector<16xi32>
          %min3A = arith.constant 31 : i32
          %min3A_529 = vector.broadcast %min3A : i32 to vector<16xi32>
          %min3A_530 = arith.minsi %max3A_528, %min3A_529 : vector<16xi32>
          tpu.vector_store_idx %arg11[%min3A_530], %add3A_278 masked %and3A_526 : memref<32xi32, #tpu.memory_space<vmem>>[vector<16xi32>], vector<16xi32>, vector<16xi1>
          %all_reduce_population_count3A = tpu.all_reduce %le3A_515 {dim = 0 : i64, kind = #tpu.reduction_kind<sum>} : vector<16xi1> -> vector<16xi32>
          %add3A_531 = arith.addi %scan3A_246, %all_reduce_population_count3A : vector<16xi32>
          %jit3A_532 = arith.constant 4095 : i32
          %broadcast_in_dim3A_533 = vector.broadcast %jit3A_532 : i32 to vector<16xi32>
          %select_n3A_534 = arith.select %le3A_515, %add3A_278, %broadcast_in_dim3A_533 : vector<16xi1>, vector<16xi32>
          %min3A_535 = arith.minsi %scan3A_249, %select_n3A_534 : vector<16xi32>
          %le3A_536 = arith.constant 4.000000e-02 : f32
          %le3A_537 = vector.broadcast %le3A_536 : f32 to vector<16xf32>
          %le3A_538 = arith.cmpf ole, %add3A_302, %le3A_537 : vector<16xf32>
          %convert_element_type3A_539 = arith.extui %le3A_538 : vector<16xi1> to vector<16xi32>
          %cumsum3A_540 = arith.constant true
          %cumsum3A_541 = vector.broadcast %cumsum3A_540 : i1 to vector<16xi1>
          %cumsum3A_542 = tpu.scan <sum>, %convert_element_type3A_539 masked %cumsum3A_541 : vector<16xi32>, vector<16xi1> -> vector<16xi32>
          %add3A_543 = arith.addi %add3A_531, %cumsum3A_542 : vector<16xi32>
          %sub3A_544 = arith.constant 1 : i32
          %sub3A_545 = vector.broadcast %sub3A_544 : i32 to vector<16xi32>
          %sub3A_546 = arith.subi %add3A_543, %sub3A_545 : vector<16xi32>
          %lt3A_547 = arith.constant 32 : i32
          %lt3A_548 = vector.broadcast %lt3A_547 : i32 to vector<16xi32>
          %lt3A_549 = arith.cmpi slt, %sub3A_546, %lt3A_548 : vector<16xi32>
          %and3A_550 = arith.andi %le3A_538, %lt3A_549 : vector<16xi1>
          %max3A_551 = arith.constant 0 : i32
          %max3A_552 = vector.broadcast %max3A_551 : i32 to vector<16xi32>
          %max3A_553 = arith.maxsi %sub3A_546, %max3A_552 : vector<16xi32>
          %min3A_554 = arith.constant 31 : i32
          %min3A_555 = vector.broadcast %min3A_554 : i32 to vector<16xi32>
          %min3A_556 = arith.minsi %max3A_553, %min3A_555 : vector<16xi32>
          tpu.vector_store_idx %arg11[%min3A_556], %add3A_306 masked %and3A_550 : memref<32xi32, #tpu.memory_space<vmem>>[vector<16xi32>], vector<16xi32>, vector<16xi1>
          %all_reduce_population_count3A_557 = tpu.all_reduce %le3A_538 {dim = 0 : i64, kind = #tpu.reduction_kind<sum>} : vector<16xi1> -> vector<16xi32>
          %add3A_558 = arith.addi %add3A_531, %all_reduce_population_count3A_557 : vector<16xi32>
          %jit3A_559 = arith.constant 4095 : i32
          %broadcast_in_dim3A_560 = vector.broadcast %jit3A_559 : i32 to vector<16xi32>
          %select_n3A_561 = arith.select %le3A_538, %add3A_306, %broadcast_in_dim3A_560 : vector<16xi1>, vector<16xi32>
          %min3A_562 = arith.minsi %min3A_535, %select_n3A_561 : vector<16xi32>
          %le3A_563 = arith.constant 4.000000e-02 : f32
          %le3A_564 = vector.broadcast %le3A_563 : f32 to vector<16xf32>
          %le3A_565 = arith.cmpf ole, %add3A_330, %le3A_564 : vector<16xf32>
          %convert_element_type3A_566 = arith.extui %le3A_565 : vector<16xi1> to vector<16xi32>
          %cumsum3A_567 = arith.constant true
          %cumsum3A_568 = vector.broadcast %cumsum3A_567 : i1 to vector<16xi1>
          %cumsum3A_569 = tpu.scan <sum>, %convert_element_type3A_566 masked %cumsum3A_568 : vector<16xi32>, vector<16xi1> -> vector<16xi32>
          %add3A_570 = arith.addi %add3A_558, %cumsum3A_569 : vector<16xi32>
          %sub3A_571 = arith.constant 1 : i32
          %sub3A_572 = vector.broadcast %sub3A_571 : i32 to vector<16xi32>
          %sub3A_573 = arith.subi %add3A_570, %sub3A_572 : vector<16xi32>
          %lt3A_574 = arith.constant 32 : i32
          %lt3A_575 = vector.broadcast %lt3A_574 : i32 to vector<16xi32>
          %lt3A_576 = arith.cmpi slt, %sub3A_573, %lt3A_575 : vector<16xi32>
          %and3A_577 = arith.andi %le3A_565, %lt3A_576 : vector<16xi1>
          %max3A_578 = arith.constant 0 : i32
          %max3A_579 = vector.broadcast %max3A_578 : i32 to vector<16xi32>
          %max3A_580 = arith.maxsi %sub3A_573, %max3A_579 : vector<16xi32>
          %min3A_581 = arith.constant 31 : i32
          %min3A_582 = vector.broadcast %min3A_581 : i32 to vector<16xi32>
          %min3A_583 = arith.minsi %max3A_580, %min3A_582 : vector<16xi32>
          tpu.vector_store_idx %arg11[%min3A_583], %add3A_334 masked %and3A_577 : memref<32xi32, #tpu.memory_space<vmem>>[vector<16xi32>], vector<16xi32>, vector<16xi1>
          %all_reduce_population_count3A_584 = tpu.all_reduce %le3A_565 {dim = 0 : i64, kind = #tpu.reduction_kind<sum>} : vector<16xi1> -> vector<16xi32>
          %add3A_585 = arith.addi %add3A_558, %all_reduce_population_count3A_584 : vector<16xi32>
          %jit3A_586 = arith.constant 4095 : i32
          %broadcast_in_dim3A_587 = vector.broadcast %jit3A_586 : i32 to vector<16xi32>
          %select_n3A_588 = arith.select %le3A_565, %add3A_334, %broadcast_in_dim3A_587 : vector<16xi1>, vector<16xi32>
          %min3A_589 = arith.minsi %min3A_562, %select_n3A_588 : vector<16xi32>
          %le3A_590 = arith.constant 4.000000e-02 : f32
          %le3A_591 = vector.broadcast %le3A_590 : f32 to vector<16xf32>
          %le3A_592 = arith.cmpf ole, %add3A_358, %le3A_591 : vector<16xf32>
          %convert_element_type3A_593 = arith.extui %le3A_592 : vector<16xi1> to vector<16xi32>
          %cumsum3A_594 = arith.constant true
          %cumsum3A_595 = vector.broadcast %cumsum3A_594 : i1 to vector<16xi1>
          %cumsum3A_596 = tpu.scan <sum>, %convert_element_type3A_593 masked %cumsum3A_595 : vector<16xi32>, vector<16xi1> -> vector<16xi32>
          %add3A_597 = arith.addi %add3A_585, %cumsum3A_596 : vector<16xi32>
          %sub3A_598 = arith.constant 1 : i32
          %sub3A_599 = vector.broadcast %sub3A_598 : i32 to vector<16xi32>
          %sub3A_600 = arith.subi %add3A_597, %sub3A_599 : vector<16xi32>
          %lt3A_601 = arith.constant 32 : i32
          %lt3A_602 = vector.broadcast %lt3A_601 : i32 to vector<16xi32>
          %lt3A_603 = arith.cmpi slt, %sub3A_600, %lt3A_602 : vector<16xi32>
          %and3A_604 = arith.andi %le3A_592, %lt3A_603 : vector<16xi1>
          %max3A_605 = arith.constant 0 : i32
          %max3A_606 = vector.broadcast %max3A_605 : i32 to vector<16xi32>
          %max3A_607 = arith.maxsi %sub3A_600, %max3A_606 : vector<16xi32>
          %min3A_608 = arith.constant 31 : i32
          %min3A_609 = vector.broadcast %min3A_608 : i32 to vector<16xi32>
          %min3A_610 = arith.minsi %max3A_607, %min3A_609 : vector<16xi32>
          tpu.vector_store_idx %arg11[%min3A_610], %add3A_362 masked %and3A_604 : memref<32xi32, #tpu.memory_space<vmem>>[vector<16xi32>], vector<16xi32>, vector<16xi1>
          %all_reduce_population_count3A_611 = tpu.all_reduce %le3A_592 {dim = 0 : i64, kind = #tpu.reduction_kind<sum>} : vector<16xi1> -> vector<16xi32>
          %add3A_612 = arith.addi %add3A_585, %all_reduce_population_count3A_611 : vector<16xi32>
          %jit3A_613 = arith.constant 4095 : i32
          %broadcast_in_dim3A_614 = vector.broadcast %jit3A_613 : i32 to vector<16xi32>
          %select_n3A_615 = arith.select %le3A_592, %add3A_362, %broadcast_in_dim3A_614 : vector<16xi1>, vector<16xi32>
          %min3A_616 = arith.minsi %min3A_589, %select_n3A_615 : vector<16xi32>
          %le3A_617 = arith.constant 4.000000e-02 : f32
          %le3A_618 = vector.broadcast %le3A_617 : f32 to vector<16xf32>
          %le3A_619 = arith.cmpf ole, %add3A_386, %le3A_618 : vector<16xf32>
          %convert_element_type3A_620 = arith.extui %le3A_619 : vector<16xi1> to vector<16xi32>
          %cumsum3A_621 = arith.constant true
          %cumsum3A_622 = vector.broadcast %cumsum3A_621 : i1 to vector<16xi1>
          %cumsum3A_623 = tpu.scan <sum>, %convert_element_type3A_620 masked %cumsum3A_622 : vector<16xi32>, vector<16xi1> -> vector<16xi32>
          %add3A_624 = arith.addi %add3A_612, %cumsum3A_623 : vector<16xi32>
          %sub3A_625 = arith.constant 1 : i32
          %sub3A_626 = vector.broadcast %sub3A_625 : i32 to vector<16xi32>
          %sub3A_627 = arith.subi %add3A_624, %sub3A_626 : vector<16xi32>
          %lt3A_628 = arith.constant 32 : i32
          %lt3A_629 = vector.broadcast %lt3A_628 : i32 to vector<16xi32>
          %lt3A_630 = arith.cmpi slt, %sub3A_627, %lt3A_629 : vector<16xi32>
          %and3A_631 = arith.andi %le3A_619, %lt3A_630 : vector<16xi1>
          %max3A_632 = arith.constant 0 : i32
          %max3A_633 = vector.broadcast %max3A_632 : i32 to vector<16xi32>
          %max3A_634 = arith.maxsi %sub3A_627, %max3A_633 : vector<16xi32>
          %min3A_635 = arith.constant 31 : i32
          %min3A_636 = vector.broadcast %min3A_635 : i32 to vector<16xi32>
          %min3A_637 = arith.minsi %max3A_634, %min3A_636 : vector<16xi32>
          tpu.vector_store_idx %arg11[%min3A_637], %add3A_390 masked %and3A_631 : memref<32xi32, #tpu.memory_space<vmem>>[vector<16xi32>], vector<16xi32>, vector<16xi1>
          %all_reduce_population_count3A_638 = tpu.all_reduce %le3A_619 {dim = 0 : i64, kind = #tpu.reduction_kind<sum>} : vector<16xi1> -> vector<16xi32>
          %add3A_639 = arith.addi %add3A_612, %all_reduce_population_count3A_638 : vector<16xi32>
          %jit3A_640 = arith.constant 4095 : i32
          %broadcast_in_dim3A_641 = vector.broadcast %jit3A_640 : i32 to vector<16xi32>
          %select_n3A_642 = arith.select %le3A_619, %add3A_390, %broadcast_in_dim3A_641 : vector<16xi1>, vector<16xi32>
          %min3A_643 = arith.minsi %min3A_616, %select_n3A_642 : vector<16xi32>
          %le3A_644 = arith.constant 4.000000e-02 : f32
          %le3A_645 = vector.broadcast %le3A_644 : f32 to vector<16xf32>
          %le3A_646 = arith.cmpf ole, %add3A_414, %le3A_645 : vector<16xf32>
          %convert_element_type3A_647 = arith.extui %le3A_646 : vector<16xi1> to vector<16xi32>
          %cumsum3A_648 = arith.constant true
          %cumsum3A_649 = vector.broadcast %cumsum3A_648 : i1 to vector<16xi1>
          %cumsum3A_650 = tpu.scan <sum>, %convert_element_type3A_647 masked %cumsum3A_649 : vector<16xi32>, vector<16xi1> -> vector<16xi32>
          %add3A_651 = arith.addi %add3A_639, %cumsum3A_650 : vector<16xi32>
          %sub3A_652 = arith.constant 1 : i32
          %sub3A_653 = vector.broadcast %sub3A_652 : i32 to vector<16xi32>
          %sub3A_654 = arith.subi %add3A_651, %sub3A_653 : vector<16xi32>
          %lt3A_655 = arith.constant 32 : i32
          %lt3A_656 = vector.broadcast %lt3A_655 : i32 to vector<16xi32>
          %lt3A_657 = arith.cmpi slt, %sub3A_654, %lt3A_656 : vector<16xi32>
          %and3A_658 = arith.andi %le3A_646, %lt3A_657 : vector<16xi1>
          %max3A_659 = arith.constant 0 : i32
          %max3A_660 = vector.broadcast %max3A_659 : i32 to vector<16xi32>
          %max3A_661 = arith.maxsi %sub3A_654, %max3A_660 : vector<16xi32>
          %min3A_662 = arith.constant 31 : i32
          %min3A_663 = vector.broadcast %min3A_662 : i32 to vector<16xi32>
          %min3A_664 = arith.minsi %max3A_661, %min3A_663 : vector<16xi32>
          tpu.vector_store_idx %arg11[%min3A_664], %add3A_418 masked %and3A_658 : memref<32xi32, #tpu.memory_space<vmem>>[vector<16xi32>], vector<16xi32>, vector<16xi1>
          %all_reduce_population_count3A_665 = tpu.all_reduce %le3A_646 {dim = 0 : i64, kind = #tpu.reduction_kind<sum>} : vector<16xi1> -> vector<16xi32>
          %add3A_666 = arith.addi %add3A_639, %all_reduce_population_count3A_665 : vector<16xi32>
          %jit3A_667 = arith.constant 4095 : i32
          %broadcast_in_dim3A_668 = vector.broadcast %jit3A_667 : i32 to vector<16xi32>
          %select_n3A_669 = arith.select %le3A_646, %add3A_418, %broadcast_in_dim3A_668 : vector<16xi1>, vector<16xi32>
          %min3A_670 = arith.minsi %min3A_643, %select_n3A_669 : vector<16xi32>
          %le3A_671 = arith.constant 4.000000e-02 : f32
          %le3A_672 = vector.broadcast %le3A_671 : f32 to vector<16xf32>
          %le3A_673 = arith.cmpf ole, %add3A_442, %le3A_672 : vector<16xf32>
          %convert_element_type3A_674 = arith.extui %le3A_673 : vector<16xi1> to vector<16xi32>
          %cumsum3A_675 = arith.constant true
          %cumsum3A_676 = vector.broadcast %cumsum3A_675 : i1 to vector<16xi1>
          %cumsum3A_677 = tpu.scan <sum>, %convert_element_type3A_674 masked %cumsum3A_676 : vector<16xi32>, vector<16xi1> -> vector<16xi32>
          %add3A_678 = arith.addi %add3A_666, %cumsum3A_677 : vector<16xi32>
          %sub3A_679 = arith.constant 1 : i32
          %sub3A_680 = vector.broadcast %sub3A_679 : i32 to vector<16xi32>
          %sub3A_681 = arith.subi %add3A_678, %sub3A_680 : vector<16xi32>
          %lt3A_682 = arith.constant 32 : i32
          %lt3A_683 = vector.broadcast %lt3A_682 : i32 to vector<16xi32>
          %lt3A_684 = arith.cmpi slt, %sub3A_681, %lt3A_683 : vector<16xi32>
          %and3A_685 = arith.andi %le3A_673, %lt3A_684 : vector<16xi1>
          %max3A_686 = arith.constant 0 : i32
          %max3A_687 = vector.broadcast %max3A_686 : i32 to vector<16xi32>
          %max3A_688 = arith.maxsi %sub3A_681, %max3A_687 : vector<16xi32>
          %min3A_689 = arith.constant 31 : i32
          %min3A_690 = vector.broadcast %min3A_689 : i32 to vector<16xi32>
          %min3A_691 = arith.minsi %max3A_688, %min3A_690 : vector<16xi32>
          tpu.vector_store_idx %arg11[%min3A_691], %add3A_446 masked %and3A_685 : memref<32xi32, #tpu.memory_space<vmem>>[vector<16xi32>], vector<16xi32>, vector<16xi1>
          %all_reduce_population_count3A_692 = tpu.all_reduce %le3A_673 {dim = 0 : i64, kind = #tpu.reduction_kind<sum>} : vector<16xi1> -> vector<16xi32>
          %add3A_693 = arith.addi %add3A_666, %all_reduce_population_count3A_692 : vector<16xi32>
          %jit3A_694 = arith.constant 4095 : i32
          %broadcast_in_dim3A_695 = vector.broadcast %jit3A_694 : i32 to vector<16xi32>
          %select_n3A_696 = arith.select %le3A_673, %add3A_446, %broadcast_in_dim3A_695 : vector<16xi1>, vector<16xi32>
          %min3A_697 = arith.minsi %min3A_670, %select_n3A_696 : vector<16xi32>
          %le3A_698 = arith.constant 4.000000e-02 : f32
          %le3A_699 = vector.broadcast %le3A_698 : f32 to vector<16xf32>
          %le3A_700 = arith.cmpf ole, %add3A_470, %le3A_699 : vector<16xf32>
          %convert_element_type3A_701 = arith.extui %le3A_700 : vector<16xi1> to vector<16xi32>
          %cumsum3A_702 = arith.constant true
          %cumsum3A_703 = vector.broadcast %cumsum3A_702 : i1 to vector<16xi1>
          %cumsum3A_704 = tpu.scan <sum>, %convert_element_type3A_701 masked %cumsum3A_703 : vector<16xi32>, vector<16xi1> -> vector<16xi32>
          %add3A_705 = arith.addi %add3A_693, %cumsum3A_704 : vector<16xi32>
          %sub3A_706 = arith.constant 1 : i32
          %sub3A_707 = vector.broadcast %sub3A_706 : i32 to vector<16xi32>
          %sub3A_708 = arith.subi %add3A_705, %sub3A_707 : vector<16xi32>
          %lt3A_709 = arith.constant 32 : i32
          %lt3A_710 = vector.broadcast %lt3A_709 : i32 to vector<16xi32>
          %lt3A_711 = arith.cmpi slt, %sub3A_708, %lt3A_710 : vector<16xi32>
          %and3A_712 = arith.andi %le3A_700, %lt3A_711 : vector<16xi1>
          %max3A_713 = arith.constant 0 : i32
          %max3A_714 = vector.broadcast %max3A_713 : i32 to vector<16xi32>
          %max3A_715 = arith.maxsi %sub3A_708, %max3A_714 : vector<16xi32>
          %min3A_716 = arith.constant 31 : i32
          %min3A_717 = vector.broadcast %min3A_716 : i32 to vector<16xi32>
          %min3A_718 = arith.minsi %max3A_715, %min3A_717 : vector<16xi32>
          tpu.vector_store_idx %arg11[%min3A_718], %add3A_474 masked %and3A_712 : memref<32xi32, #tpu.memory_space<vmem>>[vector<16xi32>], vector<16xi32>, vector<16xi1>
          %all_reduce_population_count3A_719 = tpu.all_reduce %le3A_700 {dim = 0 : i64, kind = #tpu.reduction_kind<sum>} : vector<16xi1> -> vector<16xi32>
          %add3A_720 = arith.addi %add3A_693, %all_reduce_population_count3A_719 : vector<16xi32>
          %jit3A_721 = arith.constant 4095 : i32
          %broadcast_in_dim3A_722 = vector.broadcast %jit3A_721 : i32 to vector<16xi32>
          %select_n3A_723 = arith.select %le3A_700, %add3A_474, %broadcast_in_dim3A_722 : vector<16xi1>, vector<16xi32>
          %min3A_724 = arith.minsi %min3A_697, %select_n3A_723 : vector<16xi32>
          scf.yield %add3A_720, %min3A_724 : vector<16xi32>, vector<16xi32>
        } else {
          scf.yield %scan3A_246, %scan3A_249 : vector<16xi32>, vector<16xi32>
        }
        %reduce_max3A_500 = arith.constant true
        %reduce_max3A_501 = vector.broadcast %reduce_max3A_500 : i1 to vector<16xi1>
        %reduce_max3A_502 = arith.constant -2147483648 : i32
        %reduce_max3A_503 = vector.broadcast %reduce_max3A_502 : i32 to vector<16xi32>
        %reduce_max3A_504 = arith.xori %scan3A_247, %reduce_max3A_503 : vector<16xi32>
        %reduce_max3A_505 = tpu.scan <max>, %reduce_max3A_504 masked %reduce_max3A_501 : vector<16xi32>, vector<16xi1> -> vector<16xi32>
        %reduce_max3A_506 = arith.xori %reduce_max3A_505, %reduce_max3A_503 : vector<16xi32>
        %reduce_max3A_507 = vector.extract %reduce_max3A_506[15] : i32 from vector<16xi32>
        %lt3A_508 = arith.constant 64 : i32
        %lt3A_509 = arith.cmpi slt, %reduce_max3A_507, %lt3A_508 : i32
        %convert_element_type3A_510 = arith.extui %lt3A_509 : i1 to i32
        %cond3A_511 = arith.constant 0 : i32
        %cond3A_512 = arith.cmpi ne, %convert_element_type3A_510, %cond3A_511 : i32
        %cond3A_513:2 = scf.if %cond3A_512 -> (vector<16xi32>, vector<16xi32>) {
          %le3A = arith.constant 1.600000e-01 : f32
          %le3A_514 = vector.broadcast %le3A : f32 to vector<16xf32>
          %le3A_515 = arith.cmpf ole, %add3A_274, %le3A_514 : vector<16xf32>
          %convert_element_type3A_516 = arith.extui %le3A_515 : vector<16xi1> to vector<16xi32>
          %cumsum3A = arith.constant true
          %cumsum3A_517 = vector.broadcast %cumsum3A : i1 to vector<16xi1>
          %cumsum3A_518 = tpu.scan <sum>, %convert_element_type3A_516 masked %cumsum3A_517 : vector<16xi32>, vector<16xi1> -> vector<16xi32>
          %add3A_519 = arith.addi %scan3A_247, %cumsum3A_518 : vector<16xi32>
          %sub3A_520 = arith.constant 1 : i32
          %sub3A_521 = vector.broadcast %sub3A_520 : i32 to vector<16xi32>
          %sub3A_522 = arith.subi %add3A_519, %sub3A_521 : vector<16xi32>
          %lt3A_523 = arith.constant 64 : i32
          %lt3A_524 = vector.broadcast %lt3A_523 : i32 to vector<16xi32>
          %lt3A_525 = arith.cmpi slt, %sub3A_522, %lt3A_524 : vector<16xi32>
          %and3A_526 = arith.andi %le3A_515, %lt3A_525 : vector<16xi1>
          %max3A = arith.constant 0 : i32
          %max3A_527 = vector.broadcast %max3A : i32 to vector<16xi32>
          %max3A_528 = arith.maxsi %sub3A_522, %max3A_527 : vector<16xi32>
          %min3A = arith.constant 63 : i32
          %min3A_529 = vector.broadcast %min3A : i32 to vector<16xi32>
          %min3A_530 = arith.minsi %max3A_528, %min3A_529 : vector<16xi32>
          tpu.vector_store_idx %arg12[%min3A_530], %add3A_278 masked %and3A_526 : memref<64xi32, #tpu.memory_space<vmem>>[vector<16xi32>], vector<16xi32>, vector<16xi1>
          %all_reduce_population_count3A = tpu.all_reduce %le3A_515 {dim = 0 : i64, kind = #tpu.reduction_kind<sum>} : vector<16xi1> -> vector<16xi32>
          %add3A_531 = arith.addi %scan3A_247, %all_reduce_population_count3A : vector<16xi32>
          %jit3A_532 = arith.constant 4095 : i32
          %broadcast_in_dim3A_533 = vector.broadcast %jit3A_532 : i32 to vector<16xi32>
          %select_n3A_534 = arith.select %le3A_515, %add3A_278, %broadcast_in_dim3A_533 : vector<16xi1>, vector<16xi32>
          %min3A_535 = arith.minsi %scan3A_250, %select_n3A_534 : vector<16xi32>
          %le3A_536 = arith.constant 1.600000e-01 : f32
          %le3A_537 = vector.broadcast %le3A_536 : f32 to vector<16xf32>
          %le3A_538 = arith.cmpf ole, %add3A_302, %le3A_537 : vector<16xf32>
          %convert_element_type3A_539 = arith.extui %le3A_538 : vector<16xi1> to vector<16xi32>
          %cumsum3A_540 = arith.constant true
          %cumsum3A_541 = vector.broadcast %cumsum3A_540 : i1 to vector<16xi1>
          %cumsum3A_542 = tpu.scan <sum>, %convert_element_type3A_539 masked %cumsum3A_541 : vector<16xi32>, vector<16xi1> -> vector<16xi32>
          %add3A_543 = arith.addi %add3A_531, %cumsum3A_542 : vector<16xi32>
          %sub3A_544 = arith.constant 1 : i32
          %sub3A_545 = vector.broadcast %sub3A_544 : i32 to vector<16xi32>
          %sub3A_546 = arith.subi %add3A_543, %sub3A_545 : vector<16xi32>
          %lt3A_547 = arith.constant 64 : i32
          %lt3A_548 = vector.broadcast %lt3A_547 : i32 to vector<16xi32>
          %lt3A_549 = arith.cmpi slt, %sub3A_546, %lt3A_548 : vector<16xi32>
          %and3A_550 = arith.andi %le3A_538, %lt3A_549 : vector<16xi1>
          %max3A_551 = arith.constant 0 : i32
          %max3A_552 = vector.broadcast %max3A_551 : i32 to vector<16xi32>
          %max3A_553 = arith.maxsi %sub3A_546, %max3A_552 : vector<16xi32>
          %min3A_554 = arith.constant 63 : i32
          %min3A_555 = vector.broadcast %min3A_554 : i32 to vector<16xi32>
          %min3A_556 = arith.minsi %max3A_553, %min3A_555 : vector<16xi32>
          tpu.vector_store_idx %arg12[%min3A_556], %add3A_306 masked %and3A_550 : memref<64xi32, #tpu.memory_space<vmem>>[vector<16xi32>], vector<16xi32>, vector<16xi1>
          %all_reduce_population_count3A_557 = tpu.all_reduce %le3A_538 {dim = 0 : i64, kind = #tpu.reduction_kind<sum>} : vector<16xi1> -> vector<16xi32>
          %add3A_558 = arith.addi %add3A_531, %all_reduce_population_count3A_557 : vector<16xi32>
          %jit3A_559 = arith.constant 4095 : i32
          %broadcast_in_dim3A_560 = vector.broadcast %jit3A_559 : i32 to vector<16xi32>
          %select_n3A_561 = arith.select %le3A_538, %add3A_306, %broadcast_in_dim3A_560 : vector<16xi1>, vector<16xi32>
          %min3A_562 = arith.minsi %min3A_535, %select_n3A_561 : vector<16xi32>
          %le3A_563 = arith.constant 1.600000e-01 : f32
          %le3A_564 = vector.broadcast %le3A_563 : f32 to vector<16xf32>
          %le3A_565 = arith.cmpf ole, %add3A_330, %le3A_564 : vector<16xf32>
          %convert_element_type3A_566 = arith.extui %le3A_565 : vector<16xi1> to vector<16xi32>
          %cumsum3A_567 = arith.constant true
          %cumsum3A_568 = vector.broadcast %cumsum3A_567 : i1 to vector<16xi1>
          %cumsum3A_569 = tpu.scan <sum>, %convert_element_type3A_566 masked %cumsum3A_568 : vector<16xi32>, vector<16xi1> -> vector<16xi32>
          %add3A_570 = arith.addi %add3A_558, %cumsum3A_569 : vector<16xi32>
          %sub3A_571 = arith.constant 1 : i32
          %sub3A_572 = vector.broadcast %sub3A_571 : i32 to vector<16xi32>
          %sub3A_573 = arith.subi %add3A_570, %sub3A_572 : vector<16xi32>
          %lt3A_574 = arith.constant 64 : i32
          %lt3A_575 = vector.broadcast %lt3A_574 : i32 to vector<16xi32>
          %lt3A_576 = arith.cmpi slt, %sub3A_573, %lt3A_575 : vector<16xi32>
          %and3A_577 = arith.andi %le3A_565, %lt3A_576 : vector<16xi1>
          %max3A_578 = arith.constant 0 : i32
          %max3A_579 = vector.broadcast %max3A_578 : i32 to vector<16xi32>
          %max3A_580 = arith.maxsi %sub3A_573, %max3A_579 : vector<16xi32>
          %min3A_581 = arith.constant 63 : i32
          %min3A_582 = vector.broadcast %min3A_581 : i32 to vector<16xi32>
          %min3A_583 = arith.minsi %max3A_580, %min3A_582 : vector<16xi32>
          tpu.vector_store_idx %arg12[%min3A_583], %add3A_334 masked %and3A_577 : memref<64xi32, #tpu.memory_space<vmem>>[vector<16xi32>], vector<16xi32>, vector<16xi1>
          %all_reduce_population_count3A_584 = tpu.all_reduce %le3A_565 {dim = 0 : i64, kind = #tpu.reduction_kind<sum>} : vector<16xi1> -> vector<16xi32>
          %add3A_585 = arith.addi %add3A_558, %all_reduce_population_count3A_584 : vector<16xi32>
          %jit3A_586 = arith.constant 4095 : i32
          %broadcast_in_dim3A_587 = vector.broadcast %jit3A_586 : i32 to vector<16xi32>
          %select_n3A_588 = arith.select %le3A_565, %add3A_334, %broadcast_in_dim3A_587 : vector<16xi1>, vector<16xi32>
          %min3A_589 = arith.minsi %min3A_562, %select_n3A_588 : vector<16xi32>
          %le3A_590 = arith.constant 1.600000e-01 : f32
          %le3A_591 = vector.broadcast %le3A_590 : f32 to vector<16xf32>
          %le3A_592 = arith.cmpf ole, %add3A_358, %le3A_591 : vector<16xf32>
          %convert_element_type3A_593 = arith.extui %le3A_592 : vector<16xi1> to vector<16xi32>
          %cumsum3A_594 = arith.constant true
          %cumsum3A_595 = vector.broadcast %cumsum3A_594 : i1 to vector<16xi1>
          %cumsum3A_596 = tpu.scan <sum>, %convert_element_type3A_593 masked %cumsum3A_595 : vector<16xi32>, vector<16xi1> -> vector<16xi32>
          %add3A_597 = arith.addi %add3A_585, %cumsum3A_596 : vector<16xi32>
          %sub3A_598 = arith.constant 1 : i32
          %sub3A_599 = vector.broadcast %sub3A_598 : i32 to vector<16xi32>
          %sub3A_600 = arith.subi %add3A_597, %sub3A_599 : vector<16xi32>
          %lt3A_601 = arith.constant 64 : i32
          %lt3A_602 = vector.broadcast %lt3A_601 : i32 to vector<16xi32>
          %lt3A_603 = arith.cmpi slt, %sub3A_600, %lt3A_602 : vector<16xi32>
          %and3A_604 = arith.andi %le3A_592, %lt3A_603 : vector<16xi1>
          %max3A_605 = arith.constant 0 : i32
          %max3A_606 = vector.broadcast %max3A_605 : i32 to vector<16xi32>
          %max3A_607 = arith.maxsi %sub3A_600, %max3A_606 : vector<16xi32>
          %min3A_608 = arith.constant 63 : i32
          %min3A_609 = vector.broadcast %min3A_608 : i32 to vector<16xi32>
          %min3A_610 = arith.minsi %max3A_607, %min3A_609 : vector<16xi32>
          tpu.vector_store_idx %arg12[%min3A_610], %add3A_362 masked %and3A_604 : memref<64xi32, #tpu.memory_space<vmem>>[vector<16xi32>], vector<16xi32>, vector<16xi1>
          %all_reduce_population_count3A_611 = tpu.all_reduce %le3A_592 {dim = 0 : i64, kind = #tpu.reduction_kind<sum>} : vector<16xi1> -> vector<16xi32>
          %add3A_612 = arith.addi %add3A_585, %all_reduce_population_count3A_611 : vector<16xi32>
          %jit3A_613 = arith.constant 4095 : i32
          %broadcast_in_dim3A_614 = vector.broadcast %jit3A_613 : i32 to vector<16xi32>
          %select_n3A_615 = arith.select %le3A_592, %add3A_362, %broadcast_in_dim3A_614 : vector<16xi1>, vector<16xi32>
          %min3A_616 = arith.minsi %min3A_589, %select_n3A_615 : vector<16xi32>
          %le3A_617 = arith.constant 1.600000e-01 : f32
          %le3A_618 = vector.broadcast %le3A_617 : f32 to vector<16xf32>
          %le3A_619 = arith.cmpf ole, %add3A_386, %le3A_618 : vector<16xf32>
          %convert_element_type3A_620 = arith.extui %le3A_619 : vector<16xi1> to vector<16xi32>
          %cumsum3A_621 = arith.constant true
          %cumsum3A_622 = vector.broadcast %cumsum3A_621 : i1 to vector<16xi1>
          %cumsum3A_623 = tpu.scan <sum>, %convert_element_type3A_620 masked %cumsum3A_622 : vector<16xi32>, vector<16xi1> -> vector<16xi32>
          %add3A_624 = arith.addi %add3A_612, %cumsum3A_623 : vector<16xi32>
          %sub3A_625 = arith.constant 1 : i32
          %sub3A_626 = vector.broadcast %sub3A_625 : i32 to vector<16xi32>
          %sub3A_627 = arith.subi %add3A_624, %sub3A_626 : vector<16xi32>
          %lt3A_628 = arith.constant 64 : i32
          %lt3A_629 = vector.broadcast %lt3A_628 : i32 to vector<16xi32>
          %lt3A_630 = arith.cmpi slt, %sub3A_627, %lt3A_629 : vector<16xi32>
          %and3A_631 = arith.andi %le3A_619, %lt3A_630 : vector<16xi1>
          %max3A_632 = arith.constant 0 : i32
          %max3A_633 = vector.broadcast %max3A_632 : i32 to vector<16xi32>
          %max3A_634 = arith.maxsi %sub3A_627, %max3A_633 : vector<16xi32>
          %min3A_635 = arith.constant 63 : i32
          %min3A_636 = vector.broadcast %min3A_635 : i32 to vector<16xi32>
          %min3A_637 = arith.minsi %max3A_634, %min3A_636 : vector<16xi32>
          tpu.vector_store_idx %arg12[%min3A_637], %add3A_390 masked %and3A_631 : memref<64xi32, #tpu.memory_space<vmem>>[vector<16xi32>], vector<16xi32>, vector<16xi1>
          %all_reduce_population_count3A_638 = tpu.all_reduce %le3A_619 {dim = 0 : i64, kind = #tpu.reduction_kind<sum>} : vector<16xi1> -> vector<16xi32>
          %add3A_639 = arith.addi %add3A_612, %all_reduce_population_count3A_638 : vector<16xi32>
          %jit3A_640 = arith.constant 4095 : i32
          %broadcast_in_dim3A_641 = vector.broadcast %jit3A_640 : i32 to vector<16xi32>
          %select_n3A_642 = arith.select %le3A_619, %add3A_390, %broadcast_in_dim3A_641 : vector<16xi1>, vector<16xi32>
          %min3A_643 = arith.minsi %min3A_616, %select_n3A_642 : vector<16xi32>
          %le3A_644 = arith.constant 1.600000e-01 : f32
          %le3A_645 = vector.broadcast %le3A_644 : f32 to vector<16xf32>
          %le3A_646 = arith.cmpf ole, %add3A_414, %le3A_645 : vector<16xf32>
          %convert_element_type3A_647 = arith.extui %le3A_646 : vector<16xi1> to vector<16xi32>
          %cumsum3A_648 = arith.constant true
          %cumsum3A_649 = vector.broadcast %cumsum3A_648 : i1 to vector<16xi1>
          %cumsum3A_650 = tpu.scan <sum>, %convert_element_type3A_647 masked %cumsum3A_649 : vector<16xi32>, vector<16xi1> -> vector<16xi32>
          %add3A_651 = arith.addi %add3A_639, %cumsum3A_650 : vector<16xi32>
          %sub3A_652 = arith.constant 1 : i32
          %sub3A_653 = vector.broadcast %sub3A_652 : i32 to vector<16xi32>
          %sub3A_654 = arith.subi %add3A_651, %sub3A_653 : vector<16xi32>
          %lt3A_655 = arith.constant 64 : i32
          %lt3A_656 = vector.broadcast %lt3A_655 : i32 to vector<16xi32>
          %lt3A_657 = arith.cmpi slt, %sub3A_654, %lt3A_656 : vector<16xi32>
          %and3A_658 = arith.andi %le3A_646, %lt3A_657 : vector<16xi1>
          %max3A_659 = arith.constant 0 : i32
          %max3A_660 = vector.broadcast %max3A_659 : i32 to vector<16xi32>
          %max3A_661 = arith.maxsi %sub3A_654, %max3A_660 : vector<16xi32>
          %min3A_662 = arith.constant 63 : i32
          %min3A_663 = vector.broadcast %min3A_662 : i32 to vector<16xi32>
          %min3A_664 = arith.minsi %max3A_661, %min3A_663 : vector<16xi32>
          tpu.vector_store_idx %arg12[%min3A_664], %add3A_418 masked %and3A_658 : memref<64xi32, #tpu.memory_space<vmem>>[vector<16xi32>], vector<16xi32>, vector<16xi1>
          %all_reduce_population_count3A_665 = tpu.all_reduce %le3A_646 {dim = 0 : i64, kind = #tpu.reduction_kind<sum>} : vector<16xi1> -> vector<16xi32>
          %add3A_666 = arith.addi %add3A_639, %all_reduce_population_count3A_665 : vector<16xi32>
          %jit3A_667 = arith.constant 4095 : i32
          %broadcast_in_dim3A_668 = vector.broadcast %jit3A_667 : i32 to vector<16xi32>
          %select_n3A_669 = arith.select %le3A_646, %add3A_418, %broadcast_in_dim3A_668 : vector<16xi1>, vector<16xi32>
          %min3A_670 = arith.minsi %min3A_643, %select_n3A_669 : vector<16xi32>
          %le3A_671 = arith.constant 1.600000e-01 : f32
          %le3A_672 = vector.broadcast %le3A_671 : f32 to vector<16xf32>
          %le3A_673 = arith.cmpf ole, %add3A_442, %le3A_672 : vector<16xf32>
          %convert_element_type3A_674 = arith.extui %le3A_673 : vector<16xi1> to vector<16xi32>
          %cumsum3A_675 = arith.constant true
          %cumsum3A_676 = vector.broadcast %cumsum3A_675 : i1 to vector<16xi1>
          %cumsum3A_677 = tpu.scan <sum>, %convert_element_type3A_674 masked %cumsum3A_676 : vector<16xi32>, vector<16xi1> -> vector<16xi32>
          %add3A_678 = arith.addi %add3A_666, %cumsum3A_677 : vector<16xi32>
          %sub3A_679 = arith.constant 1 : i32
          %sub3A_680 = vector.broadcast %sub3A_679 : i32 to vector<16xi32>
          %sub3A_681 = arith.subi %add3A_678, %sub3A_680 : vector<16xi32>
          %lt3A_682 = arith.constant 64 : i32
          %lt3A_683 = vector.broadcast %lt3A_682 : i32 to vector<16xi32>
          %lt3A_684 = arith.cmpi slt, %sub3A_681, %lt3A_683 : vector<16xi32>
          %and3A_685 = arith.andi %le3A_673, %lt3A_684 : vector<16xi1>
          %max3A_686 = arith.constant 0 : i32
          %max3A_687 = vector.broadcast %max3A_686 : i32 to vector<16xi32>
          %max3A_688 = arith.maxsi %sub3A_681, %max3A_687 : vector<16xi32>
          %min3A_689 = arith.constant 63 : i32
          %min3A_690 = vector.broadcast %min3A_689 : i32 to vector<16xi32>
          %min3A_691 = arith.minsi %max3A_688, %min3A_690 : vector<16xi32>
          tpu.vector_store_idx %arg12[%min3A_691], %add3A_446 masked %and3A_685 : memref<64xi32, #tpu.memory_space<vmem>>[vector<16xi32>], vector<16xi32>, vector<16xi1>
          %all_reduce_population_count3A_692 = tpu.all_reduce %le3A_673 {dim = 0 : i64, kind = #tpu.reduction_kind<sum>} : vector<16xi1> -> vector<16xi32>
          %add3A_693 = arith.addi %add3A_666, %all_reduce_population_count3A_692 : vector<16xi32>
          %jit3A_694 = arith.constant 4095 : i32
          %broadcast_in_dim3A_695 = vector.broadcast %jit3A_694 : i32 to vector<16xi32>
          %select_n3A_696 = arith.select %le3A_673, %add3A_446, %broadcast_in_dim3A_695 : vector<16xi1>, vector<16xi32>
          %min3A_697 = arith.minsi %min3A_670, %select_n3A_696 : vector<16xi32>
          %le3A_698 = arith.constant 1.600000e-01 : f32
          %le3A_699 = vector.broadcast %le3A_698 : f32 to vector<16xf32>
          %le3A_700 = arith.cmpf ole, %add3A_470, %le3A_699 : vector<16xf32>
          %convert_element_type3A_701 = arith.extui %le3A_700 : vector<16xi1> to vector<16xi32>
          %cumsum3A_702 = arith.constant true
          %cumsum3A_703 = vector.broadcast %cumsum3A_702 : i1 to vector<16xi1>
          %cumsum3A_704 = tpu.scan <sum>, %convert_element_type3A_701 masked %cumsum3A_703 : vector<16xi32>, vector<16xi1> -> vector<16xi32>
          %add3A_705 = arith.addi %add3A_693, %cumsum3A_704 : vector<16xi32>
          %sub3A_706 = arith.constant 1 : i32
          %sub3A_707 = vector.broadcast %sub3A_706 : i32 to vector<16xi32>
          %sub3A_708 = arith.subi %add3A_705, %sub3A_707 : vector<16xi32>
          %lt3A_709 = arith.constant 64 : i32
          %lt3A_710 = vector.broadcast %lt3A_709 : i32 to vector<16xi32>
          %lt3A_711 = arith.cmpi slt, %sub3A_708, %lt3A_710 : vector<16xi32>
          %and3A_712 = arith.andi %le3A_700, %lt3A_711 : vector<16xi1>
          %max3A_713 = arith.constant 0 : i32
          %max3A_714 = vector.broadcast %max3A_713 : i32 to vector<16xi32>
          %max3A_715 = arith.maxsi %sub3A_708, %max3A_714 : vector<16xi32>
          %min3A_716 = arith.constant 63 : i32
          %min3A_717 = vector.broadcast %min3A_716 : i32 to vector<16xi32>
          %min3A_718 = arith.minsi %max3A_715, %min3A_717 : vector<16xi32>
          tpu.vector_store_idx %arg12[%min3A_718], %add3A_474 masked %and3A_712 : memref<64xi32, #tpu.memory_space<vmem>>[vector<16xi32>], vector<16xi32>, vector<16xi1>
          %all_reduce_population_count3A_719 = tpu.all_reduce %le3A_700 {dim = 0 : i64, kind = #tpu.reduction_kind<sum>} : vector<16xi1> -> vector<16xi32>
          %add3A_720 = arith.addi %add3A_693, %all_reduce_population_count3A_719 : vector<16xi32>
          %jit3A_721 = arith.constant 4095 : i32
          %broadcast_in_dim3A_722 = vector.broadcast %jit3A_721 : i32 to vector<16xi32>
          %select_n3A_723 = arith.select %le3A_700, %add3A_474, %broadcast_in_dim3A_722 : vector<16xi1>, vector<16xi32>
          %min3A_724 = arith.minsi %min3A_697, %select_n3A_723 : vector<16xi32>
          scf.yield %add3A_720, %min3A_724 : vector<16xi32>, vector<16xi32>
        } else {
          scf.yield %scan3A_247, %scan3A_250 : vector<16xi32>, vector<16xi32>
        }
        scf.yield %cond3A_485#0, %cond3A_499#0, %cond3A_513#0, %cond3A_485#1, %cond3A_499#1, %cond3A_513#1 : vector<16xi32>, vector<16xi32>, vector<16xi32>, vector<16xi32>, vector<16xi32>, vector<16xi32>
      }
      %scan3A_81 = arith.constant 32 : i32
      %reduce_min3A = arith.constant true
      %reduce_min3A_82 = vector.broadcast %reduce_min3A : i1 to vector<16xi1>
      %reduce_min3A_83 = arith.constant -2147483648 : i32
      %reduce_min3A_84 = vector.broadcast %reduce_min3A_83 : i32 to vector<16xi32>
      %reduce_min3A_85 = arith.xori %scan3A_80#3, %reduce_min3A_84 : vector<16xi32>
      %reduce_min3A_86 = tpu.scan <min>, %reduce_min3A_85 masked %reduce_min3A_82 : vector<16xi32>, vector<16xi1> -> vector<16xi32>
      %reduce_min3A_87 = arith.xori %reduce_min3A_86, %reduce_min3A_84 : vector<16xi32>
      %reduce_min3A_88 = vector.extract %reduce_min3A_87[15] : i32 from vector<16xi32>
      %broadcast_in_dim3A_89 = vector.broadcast %reduce_min3A_88 : i32 to vector<16xi32>
      %get3A = arith.constant 0 : index
      %get3A_90 = tpu.vector_load %arg10[%get3A] {strides = array<i32>} : memref<16xi32, #tpu.memory_space<vmem>>, vector<16xi32>,
      %add3A_91 = arith.constant 0 : i32
      %add3A_92 = vector.broadcast %add3A_91 : i32 to vector<16xi32>
      %add3A_93 = arith.addi %iota3A, %add3A_92 : vector<16xi32>
      %lt3A_94 = arith.cmpi slt, %add3A_93, %scan3A_80#0 : vector<16xi32>
      %select_n3A_95 = arith.select %lt3A_94, %get3A_90, %broadcast_in_dim3A_89 : vector<16xi1>, vector<16xi32>
      %gather3A_96 = tpu.vector_load_idx %arg5[%select_n3A_95] : memref<4096xf32, #tpu.memory_space<vmem>>[vector<16xi32>], vector<16xf32>,
      %sub3A_97 = arith.subf %gather3A_96, %gather3A_54 : vector<16xf32>
      %swap3A_98 = arith.constant 0 : index
      %swap3A_99 = tpu.vector_load %arg9[%swap3A_98] {strides = array<i32>} : memref<336xf32, #tpu.memory_space<vmem>>, vector<16xf32>,
      tpu.vector_store %arg9[%swap3A_98], %sub3A_97 {strides = array<i32>} : memref<336xf32, #tpu.memory_space<vmem>>, vector<16xf32>,
      %gather3A_100 = tpu.vector_load_idx %arg6[%select_n3A_95] : memref<4096xf32, #tpu.memory_space<vmem>>[vector<16xi32>], vector<16xf32>,
      %sub3A_101 = arith.subf %gather3A_100, %gather3A_55 : vector<16xf32>
      %swap3A_102 = arith.constant 112 : index
      %swap3A_103 = tpu.vector_load %arg9[%swap3A_102] {strides = array<i32>} : memref<336xf32, #tpu.memory_space<vmem>>, vector<16xf32>,
      tpu.vector_store %arg9[%swap3A_102], %sub3A_101 {strides = array<i32>} : memref<336xf32, #tpu.memory_space<vmem>>, vector<16xf32>,
      %gather3A_104 = tpu.vector_load_idx %arg7[%select_n3A_95] : memref<4096xf32, #tpu.memory_space<vmem>>[vector<16xi32>], vector<16xf32>,
      %sub3A_105 = arith.subf %gather3A_104, %gather3A_56 : vector<16xf32>
      %swap3A_106 = arith.constant 224 : index
      %swap3A_107 = tpu.vector_load %arg9[%swap3A_106] {strides = array<i32>} : memref<336xf32, #tpu.memory_space<vmem>>, vector<16xf32>,
      tpu.vector_store %arg9[%swap3A_106], %sub3A_105 {strides = array<i32>} : memref<336xf32, #tpu.memory_space<vmem>>, vector<16xf32>,
      %reduce_min3A_108 = arith.constant true
      %reduce_min3A_109 = vector.broadcast %reduce_min3A_108 : i1 to vector<16xi1>
      %reduce_min3A_110 = arith.constant -2147483648 : i32
      %reduce_min3A_111 = vector.broadcast %reduce_min3A_110 : i32 to vector<16xi32>
      %reduce_min3A_112 = arith.xori %scan3A_80#4, %reduce_min3A_111 : vector<16xi32>
      %reduce_min3A_113 = tpu.scan <min>, %reduce_min3A_112 masked %reduce_min3A_109 : vector<16xi32>, vector<16xi1> -> vector<16xi32>
      %reduce_min3A_114 = arith.xori %reduce_min3A_113, %reduce_min3A_111 : vector<16xi32>
      %reduce_min3A_115 = vector.extract %reduce_min3A_114[15] : i32 from vector<16xi32>
      %broadcast_in_dim3A_116 = vector.broadcast %reduce_min3A_115 : i32 to vector<16xi32>
      %get3A_117 = arith.constant 0 : index
      %get3A_118 = tpu.vector_load %arg11[%get3A_117] {strides = array<i32>} : memref<32xi32, #tpu.memory_space<vmem>>, vector<16xi32>,
      %add3A_119 = arith.constant 0 : i32
      %add3A_120 = vector.broadcast %add3A_119 : i32 to vector<16xi32>
      %add3A_121 = arith.addi %iota3A, %add3A_120 : vector<16xi32>
      %lt3A_122 = arith.cmpi slt, %add3A_121, %scan3A_80#1 : vector<16xi32>
      %select_n3A_123 = arith.select %lt3A_122, %get3A_118, %broadcast_in_dim3A_116 : vector<16xi1>, vector<16xi32>
      %gather3A_124 = tpu.vector_load_idx %arg5[%select_n3A_123] : memref<4096xf32, #tpu.memory_space<vmem>>[vector<16xi32>], vector<16xf32>,
      %sub3A_125 = arith.subf %gather3A_124, %gather3A_54 : vector<16xf32>
      %swap3A_126 = arith.constant 16 : index
      %swap3A_127 = tpu.vector_load %arg9[%swap3A_126] {strides = array<i32>} : memref<336xf32, #tpu.memory_space<vmem>>, vector<16xf32>,
      tpu.vector_store %arg9[%swap3A_126], %sub3A_125 {strides = array<i32>} : memref<336xf32, #tpu.memory_space<vmem>>, vector<16xf32>,
      %gather3A_128 = tpu.vector_load_idx %arg6[%select_n3A_123] : memref<4096xf32, #tpu.memory_space<vmem>>[vector<16xi32>], vector<16xf32>,
      %sub3A_129 = arith.subf %gather3A_128, %gather3A_55 : vector<16xf32>
      %swap3A_130 = arith.constant 128 : index
      %swap3A_131 = tpu.vector_load %arg9[%swap3A_130] {strides = array<i32>} : memref<336xf32, #tpu.memory_space<vmem>>, vector<16xf32>,
      tpu.vector_store %arg9[%swap3A_130], %sub3A_129 {strides = array<i32>} : memref<336xf32, #tpu.memory_space<vmem>>, vector<16xf32>,
      %gather3A_132 = tpu.vector_load_idx %arg7[%select_n3A_123] : memref<4096xf32, #tpu.memory_space<vmem>>[vector<16xi32>], vector<16xf32>,
      %sub3A_133 = arith.subf %gather3A_132, %gather3A_56 : vector<16xf32>
      %swap3A_134 = arith.constant 240 : index
      %swap3A_135 = tpu.vector_load %arg9[%swap3A_134] {strides = array<i32>} : memref<336xf32, #tpu.memory_space<vmem>>, vector<16xf32>,
      tpu.vector_store %arg9[%swap3A_134], %sub3A_133 {strides = array<i32>} : memref<336xf32, #tpu.memory_space<vmem>>, vector<16xf32>,
      %get3A_136 = arith.constant 16 : index
      %get3A_137 = tpu.vector_load %arg11[%get3A_136] {strides = array<i32>} : memref<32xi32, #tpu.memory_space<vmem>>, vector<16xi32>,
      %add3A_138 = arith.constant 16 : i32
      %add3A_139 = vector.broadcast %add3A_138 : i32 to vector<16xi32>
      %add3A_140 = arith.addi %iota3A, %add3A_139 : vector<16xi32>
      %lt3A_141 = arith.cmpi slt, %add3A_140, %scan3A_80#1 : vector<16xi32>
      %select_n3A_142 = arith.select %lt3A_141, %get3A_137, %broadcast_in_dim3A_116 : vector<16xi1>, vector<16xi32>
      %gather3A_143 = tpu.vector_load_idx %arg5[%select_n3A_142] : memref<4096xf32, #tpu.memory_space<vmem>>[vector<16xi32>], vector<16xf32>,
      %sub3A_144 = arith.subf %gather3A_143, %gather3A_54 : vector<16xf32>
      %swap3A_145 = arith.constant 32 : index
      %swap3A_146 = tpu.vector_load %arg9[%swap3A_145] {strides = array<i32>} : memref<336xf32, #tpu.memory_space<vmem>>, vector<16xf32>,
      tpu.vector_store %arg9[%swap3A_145], %sub3A_144 {strides = array<i32>} : memref<336xf32, #tpu.memory_space<vmem>>, vector<16xf32>,
      %gather3A_147 = tpu.vector_load_idx %arg6[%select_n3A_142] : memref<4096xf32, #tpu.memory_space<vmem>>[vector<16xi32>], vector<16xf32>,
      %sub3A_148 = arith.subf %gather3A_147, %gather3A_55 : vector<16xf32>
      %swap3A_149 = arith.constant 144 : index
      %swap3A_150 = tpu.vector_load %arg9[%swap3A_149] {strides = array<i32>} : memref<336xf32, #tpu.memory_space<vmem>>, vector<16xf32>,
      tpu.vector_store %arg9[%swap3A_149], %sub3A_148 {strides = array<i32>} : memref<336xf32, #tpu.memory_space<vmem>>, vector<16xf32>,
      %gather3A_151 = tpu.vector_load_idx %arg7[%select_n3A_142] : memref<4096xf32, #tpu.memory_space<vmem>>[vector<16xi32>], vector<16xf32>,
      %sub3A_152 = arith.subf %gather3A_151, %gather3A_56 : vector<16xf32>
      %swap3A_153 = arith.constant 256 : index
      %swap3A_154 = tpu.vector_load %arg9[%swap3A_153] {strides = array<i32>} : memref<336xf32, #tpu.memory_space<vmem>>, vector<16xf32>,
      tpu.vector_store %arg9[%swap3A_153], %sub3A_152 {strides = array<i32>} : memref<336xf32, #tpu.memory_space<vmem>>, vector<16xf32>,
      %reduce_min3A_155 = arith.constant true
      %reduce_min3A_156 = vector.broadcast %reduce_min3A_155 : i1 to vector<16xi1>
      %reduce_min3A_157 = arith.constant -2147483648 : i32
      %reduce_min3A_158 = vector.broadcast %reduce_min3A_157 : i32 to vector<16xi32>
      %reduce_min3A_159 = arith.xori %scan3A_80#5, %reduce_min3A_158 : vector<16xi32>
      %reduce_min3A_160 = tpu.scan <min>, %reduce_min3A_159 masked %reduce_min3A_156 : vector<16xi32>, vector<16xi1> -> vector<16xi32>
      %reduce_min3A_161 = arith.xori %reduce_min3A_160, %reduce_min3A_158 : vector<16xi32>
      %reduce_min3A_162 = vector.extract %reduce_min3A_161[15] : i32 from vector<16xi32>
      %broadcast_in_dim3A_163 = vector.broadcast %reduce_min3A_162 : i32 to vector<16xi32>
      %get3A_164 = arith.constant 0 : index
      %get3A_165 = tpu.vector_load %arg12[%get3A_164] {strides = array<i32>} : memref<64xi32, #tpu.memory_space<vmem>>, vector<16xi32>,
      %add3A_166 = arith.constant 0 : i32
      %add3A_167 = vector.broadcast %add3A_166 : i32 to vector<16xi32>
      %add3A_168 = arith.addi %iota3A, %add3A_167 : vector<16xi32>
      %lt3A_169 = arith.cmpi slt, %add3A_168, %scan3A_80#2 : vector<16xi32>
      %select_n3A_170 = arith.select %lt3A_169, %get3A_165, %broadcast_in_dim3A_163 : vector<16xi1>, vector<16xi32>
      %gather3A_171 = tpu.vector_load_idx %arg5[%select_n3A_170] : memref<4096xf32, #tpu.memory_space<vmem>>[vector<16xi32>], vector<16xf32>,
      %sub3A_172 = arith.subf %gather3A_171, %gather3A_54 : vector<16xf32>
      %swap3A_173 = arith.constant 48 : index
      %swap3A_174 = tpu.vector_load %arg9[%swap3A_173] {strides = array<i32>} : memref<336xf32, #tpu.memory_space<vmem>>, vector<16xf32>,
      tpu.vector_store %arg9[%swap3A_173], %sub3A_172 {strides = array<i32>} : memref<336xf32, #tpu.memory_space<vmem>>, vector<16xf32>,
      %gather3A_175 = tpu.vector_load_idx %arg6[%select_n3A_170] : memref<4096xf32, #tpu.memory_space<vmem>>[vector<16xi32>], vector<16xf32>,
      %sub3A_176 = arith.subf %gather3A_175, %gather3A_55 : vector<16xf32>
      %swap3A_177 = arith.constant 160 : index
      %swap3A_178 = tpu.vector_load %arg9[%swap3A_177] {strides = array<i32>} : memref<336xf32, #tpu.memory_space<vmem>>, vector<16xf32>,
      tpu.vector_store %arg9[%swap3A_177], %sub3A_176 {strides = array<i32>} : memref<336xf32, #tpu.memory_space<vmem>>, vector<16xf32>,
      %gather3A_179 = tpu.vector_load_idx %arg7[%select_n3A_170] : memref<4096xf32, #tpu.memory_space<vmem>>[vector<16xi32>], vector<16xf32>,
      %sub3A_180 = arith.subf %gather3A_179, %gather3A_56 : vector<16xf32>
      %swap3A_181 = arith.constant 272 : index
      %swap3A_182 = tpu.vector_load %arg9[%swap3A_181] {strides = array<i32>} : memref<336xf32, #tpu.memory_space<vmem>>, vector<16xf32>,
      tpu.vector_store %arg9[%swap3A_181], %sub3A_180 {strides = array<i32>} : memref<336xf32, #tpu.memory_space<vmem>>, vector<16xf32>,
      %get3A_183 = arith.constant 16 : index
      %get3A_184 = tpu.vector_load %arg12[%get3A_183] {strides = array<i32>} : memref<64xi32, #tpu.memory_space<vmem>>, vector<16xi32>,
      %add3A_185 = arith.constant 16 : i32
      %add3A_186 = vector.broadcast %add3A_185 : i32 to vector<16xi32>
      %add3A_187 = arith.addi %iota3A, %add3A_186 : vector<16xi32>
      %lt3A_188 = arith.cmpi slt, %add3A_187, %scan3A_80#2 : vector<16xi32>
      %select_n3A_189 = arith.select %lt3A_188, %get3A_184, %broadcast_in_dim3A_163 : vector<16xi1>, vector<16xi32>
      %gather3A_190 = tpu.vector_load_idx %arg5[%select_n3A_189] : memref<4096xf32, #tpu.memory_space<vmem>>[vector<16xi32>], vector<16xf32>,
      %sub3A_191 = arith.subf %gather3A_190, %gather3A_54 : vector<16xf32>
      %swap3A_192 = arith.constant 64 : index
      %swap3A_193 = tpu.vector_load %arg9[%swap3A_192] {strides = array<i32>} : memref<336xf32, #tpu.memory_space<vmem>>, vector<16xf32>,
      tpu.vector_store %arg9[%swap3A_192], %sub3A_191 {strides = array<i32>} : memref<336xf32, #tpu.memory_space<vmem>>, vector<16xf32>,
      %gather3A_194 = tpu.vector_load_idx %arg6[%select_n3A_189] : memref<4096xf32, #tpu.memory_space<vmem>>[vector<16xi32>], vector<16xf32>,
      %sub3A_195 = arith.subf %gather3A_194, %gather3A_55 : vector<16xf32>
      %swap3A_196 = arith.constant 176 : index
      %swap3A_197 = tpu.vector_load %arg9[%swap3A_196] {strides = array<i32>} : memref<336xf32, #tpu.memory_space<vmem>>, vector<16xf32>,
      tpu.vector_store %arg9[%swap3A_196], %sub3A_195 {strides = array<i32>} : memref<336xf32, #tpu.memory_space<vmem>>, vector<16xf32>,
      %gather3A_198 = tpu.vector_load_idx %arg7[%select_n3A_189] : memref<4096xf32, #tpu.memory_space<vmem>>[vector<16xi32>], vector<16xf32>,
      %sub3A_199 = arith.subf %gather3A_198, %gather3A_56 : vector<16xf32>
      %swap3A_200 = arith.constant 288 : index
      %swap3A_201 = tpu.vector_load %arg9[%swap3A_200] {strides = array<i32>} : memref<336xf32, #tpu.memory_space<vmem>>, vector<16xf32>,
      tpu.vector_store %arg9[%swap3A_200], %sub3A_199 {strides = array<i32>} : memref<336xf32, #tpu.memory_space<vmem>>, vector<16xf32>,
      %get3A_202 = arith.constant 32 : index
      %get3A_203 = tpu.vector_load %arg12[%get3A_202] {strides = array<i32>} : memref<64xi32, #tpu.memory_space<vmem>>, vector<16xi32>,
      %add3A_204 = arith.constant 32 : i32
      %add3A_205 = vector.broadcast %add3A_204 : i32 to vector<16xi32>
      %add3A_206 = arith.addi %iota3A, %add3A_205 : vector<16xi32>
      %lt3A_207 = arith.cmpi slt, %add3A_206, %scan3A_80#2 : vector<16xi32>
      %select_n3A_208 = arith.select %lt3A_207, %get3A_203, %broadcast_in_dim3A_163 : vector<16xi1>, vector<16xi32>
      %gather3A_209 = tpu.vector_load_idx %arg5[%select_n3A_208] : memref<4096xf32, #tpu.memory_space<vmem>>[vector<16xi32>], vector<16xf32>,
      %sub3A_210 = arith.subf %gather3A_209, %gather3A_54 : vector<16xf32>
      %swap3A_211 = arith.constant 80 : index
      %swap3A_212 = tpu.vector_load %arg9[%swap3A_211] {strides = array<i32>} : memref<336xf32, #tpu.memory_space<vmem>>, vector<16xf32>,
      tpu.vector_store %arg9[%swap3A_211], %sub3A_210 {strides = array<i32>} : memref<336xf32, #tpu.memory_space<vmem>>, vector<16xf32>,
      %gather3A_213 = tpu.vector_load_idx %arg6[%select_n3A_208] : memref<4096xf32, #tpu.memory_space<vmem>>[vector<16xi32>], vector<16xf32>,
      %sub3A_214 = arith.subf %gather3A_213, %gather3A_55 : vector<16xf32>
      %swap3A_215 = arith.constant 192 : index
      %swap3A_216 = tpu.vector_load %arg9[%swap3A_215] {strides = array<i32>} : memref<336xf32, #tpu.memory_space<vmem>>, vector<16xf32>,
      tpu.vector_store %arg9[%swap3A_215], %sub3A_214 {strides = array<i32>} : memref<336xf32, #tpu.memory_space<vmem>>, vector<16xf32>,
      %gather3A_217 = tpu.vector_load_idx %arg7[%select_n3A_208] : memref<4096xf32, #tpu.memory_space<vmem>>[vector<16xi32>], vector<16xf32>,
      %sub3A_218 = arith.subf %gather3A_217, %gather3A_56 : vector<16xf32>
      %swap3A_219 = arith.constant 304 : index
      %swap3A_220 = tpu.vector_load %arg9[%swap3A_219] {strides = array<i32>} : memref<336xf32, #tpu.memory_space<vmem>>, vector<16xf32>,
      tpu.vector_store %arg9[%swap3A_219], %sub3A_218 {strides = array<i32>} : memref<336xf32, #tpu.memory_space<vmem>>, vector<16xf32>,
      %get3A_221 = arith.constant 48 : index
      %get3A_222 = tpu.vector_load %arg12[%get3A_221] {strides = array<i32>} : memref<64xi32, #tpu.memory_space<vmem>>, vector<16xi32>,
      %add3A_223 = arith.constant 48 : i32
      %add3A_224 = vector.broadcast %add3A_223 : i32 to vector<16xi32>
      %add3A_225 = arith.addi %iota3A, %add3A_224 : vector<16xi32>
      %lt3A_226 = arith.cmpi slt, %add3A_225, %scan3A_80#2 : vector<16xi32>
      %select_n3A_227 = arith.select %lt3A_226, %get3A_222, %broadcast_in_dim3A_163 : vector<16xi1>, vector<16xi32>
      %gather3A_228 = tpu.vector_load_idx %arg5[%select_n3A_227] : memref<4096xf32, #tpu.memory_space<vmem>>[vector<16xi32>], vector<16xf32>,
      %sub3A_229 = arith.subf %gather3A_228, %gather3A_54 : vector<16xf32>
      %swap3A_230 = arith.constant 96 : index
      %swap3A_231 = tpu.vector_load %arg9[%swap3A_230] {strides = array<i32>} : memref<336xf32, #tpu.memory_space<vmem>>, vector<16xf32>,
      tpu.vector_store %arg9[%swap3A_230], %sub3A_229 {strides = array<i32>} : memref<336xf32, #tpu.memory_space<vmem>>, vector<16xf32>,
      %gather3A_232 = tpu.vector_load_idx %arg6[%select_n3A_227] : memref<4096xf32, #tpu.memory_space<vmem>>[vector<16xi32>], vector<16xf32>,
      %sub3A_233 = arith.subf %gather3A_232, %gather3A_55 : vector<16xf32>
      %swap3A_234 = arith.constant 208 : index
      %swap3A_235 = tpu.vector_load %arg9[%swap3A_234] {strides = array<i32>} : memref<336xf32, #tpu.memory_space<vmem>>, vector<16xf32>,
      tpu.vector_store %arg9[%swap3A_234], %sub3A_233 {strides = array<i32>} : memref<336xf32, #tpu.memory_space<vmem>>, vector<16xf32>,
      %gather3A_236 = tpu.vector_load_idx %arg7[%select_n3A_227] : memref<4096xf32, #tpu.memory_space<vmem>>[vector<16xi32>], vector<16xf32>,
      %sub3A_237 = arith.subf %gather3A_236, %gather3A_56 : vector<16xf32>
      %swap3A_238 = arith.constant 320 : index
      %swap3A_239 = tpu.vector_load %arg9[%swap3A_238] {strides = array<i32>} : memref<336xf32, #tpu.memory_space<vmem>>, vector<16xf32>,
      tpu.vector_store %arg9[%swap3A_238], %sub3A_237 {strides = array<i32>} : memref<336xf32, #tpu.memory_space<vmem>>, vector<16xf32>,
      %mul3A_240 = arith.constant 512 : i32
      %mul3A_241 = arith.muli %select_n3A, %mul3A_240 : i32
      %add3A_242 = arith.addi %mul3A_241, %add3A_53 : i32
      "tpu.region"() ({
        %run_scoped3A = tpu.sem_alloc : memref<!tpu.dma_semaphore, #tpu.memory_space<semaphore_mem>>
        %dma_start3A = arith.constant 0 : i32
        %dma_start3A_244 = tpu.memref_slice %arg4[%add3A_242, %dma_start3A] : memref<4096x336xf32, #tpu.memory_space<hbm>> -> memref<1x336xf32, #tpu.memory_space<hbm>>
        %dma_start3A_245 = tpu.memref_squeeze %dma_start3A_244 : memref<1x336xf32, #tpu.memory_space<hbm>> -> memref<336xf32, #tpu.memory_space<hbm>>
        %dma_start3A_246 = arith.constant 0 : i32
        %dma_start3A_247 = tpu.memref_slice %arg4[%add3A_242, %dma_start3A_246] : memref<4096x336xf32, #tpu.memory_space<hbm>> -> memref<1x336xf32, #tpu.memory_space<hbm>>
        %dma_start3A_248 = tpu.memref_squeeze %dma_start3A_247 : memref<1x336xf32, #tpu.memory_space<hbm>> -> memref<336xf32, #tpu.memory_space<hbm>>
        tpu.enqueue_dma source(%arg9 : memref<336xf32, #tpu.memory_space<vmem>>) target(%dma_start3A_248 : memref<336xf32, #tpu.memory_space<hbm>>) target_semaphore(%run_scoped3A : memref<!tpu.dma_semaphore, #tpu.memory_space<semaphore_mem>>)
        %dma_wait3A = arith.constant 0 : i32
        %dma_wait3A_249 = tpu.memref_slice %arg4[%add3A_242, %dma_wait3A] : memref<4096x336xf32, #tpu.memory_space<hbm>> -> memref<1x336xf32, #tpu.memory_space<hbm>>
        %dma_wait3A_250 = tpu.memref_squeeze %dma_wait3A_249 : memref<1x336xf32, #tpu.memory_space<hbm>> -> memref<336xf32, #tpu.memory_space<hbm>>
        %dma_wait3A_251 = arith.constant 0 : i32
        %dma_wait3A_252 = tpu.memref_slice %arg4[%add3A_242, %dma_wait3A_251] : memref<4096x336xf32, #tpu.memory_space<hbm>> -> memref<1x336xf32, #tpu.memory_space<hbm>>
        %dma_wait3A_253 = tpu.memref_squeeze %dma_wait3A_252 : memref<1x336xf32, #tpu.memory_space<hbm>> -> memref<336xf32, #tpu.memory_space<hbm>>
        tpu.wait_dma2 semaphore(%run_scoped3A : memref<!tpu.dma_semaphore, #tpu.memory_space<semaphore_mem>>) src(%arg9 : memref<336xf32, #tpu.memory_space<vmem>>) dst(%dma_wait3A_253 : memref<336xf32, #tpu.memory_space<hbm>>)
        tpu.yield
      }) : () -> ()
      %scan3A_243 = arith.constant 0 : i32
      scf.yield %scan3A_243 : i32
    }
    %scan3A_48 = arith.constant 128 : i32
    return
  }
}

module attributes {stable_mosaic.version = 14 : i64} {
  func.func @_fps_body(%arg0: memref<8x3x4096xf32, #tpu.memory_space<vmem>>, %arg1: memref<8x3x512xf32, #tpu.memory_space<vmem>>, %arg2: memref<8x512xi32, #tpu.memory_space<vmem>>) attributes {dimension_semantics = [], scalar_prefetch = 0 : i64, scratch_operands = 0 : i64, tpu.core_type = #tpu.core_type<tc>} {
    %get3A = arith.constant 0 : index
    %get3A_0 = arith.constant 0 : index
    %get3A_1 = arith.constant 0 : index
    %get3A_2 = vector.load %arg0[%get3A, %get3A_0, %get3A_1] : memref<8x3x4096xf32, #tpu.memory_space<vmem>>, vector<8x1x4096xf32>
    %get3A_3 = vector.shape_cast %get3A_2 : vector<8x1x4096xf32> to vector<8x4096xf32>
    %get3A_4 = arith.constant 0 : index
    %get3A_5 = arith.constant 1 : index
    %get3A_6 = arith.constant 0 : index
    %get3A_7 = vector.load %arg0[%get3A_4, %get3A_5, %get3A_6] : memref<8x3x4096xf32, #tpu.memory_space<vmem>>, vector<8x1x4096xf32>
    %get3A_8 = vector.shape_cast %get3A_7 : vector<8x1x4096xf32> to vector<8x4096xf32>
    %get3A_9 = arith.constant 0 : index
    %get3A_10 = arith.constant 2 : index
    %get3A_11 = arith.constant 0 : index
    %get3A_12 = vector.load %arg0[%get3A_9, %get3A_10, %get3A_11] : memref<8x3x4096xf32, #tpu.memory_space<vmem>>, vector<8x1x4096xf32>
    %get3A_13 = vector.shape_cast %get3A_12 : vector<8x1x4096xf32> to vector<8x4096xf32>
    %iota3A = tpu.iota {dimensions = array<i32: 1>} : vector<8x4096xi32>
    %iota3A_14 = tpu.iota {dimensions = array<i32: 1>} : vector<8x512xi32>
    %iota3A_15 = tpu.iota {dimensions = array<i32: 0>} : vector<8x512xi32>
    %mul3A = arith.constant 512 : i32
    %mul3A_16 = vector.broadcast %mul3A : i32 to vector<8x512xi32>
    %mul3A_17 = arith.muli %iota3A_15, %mul3A_16 : vector<8x512xi32>
    %add3A = arith.addi %iota3A_14, %mul3A_17 : vector<8x512xi32>
    %and3A = arith.constant 511 : i32
    %and3A_18 = vector.broadcast %and3A : i32 to vector<8x512xi32>
    %and3A_19 = arith.andi %add3A, %and3A_18 : vector<8x512xi32>
    %broadcast_in_dim3A = arith.constant 1.000000e+10 : f32
    %broadcast_in_dim3A_20 = vector.broadcast %broadcast_in_dim3A : f32 to vector<8x4096xf32>
    %broadcast_in_dim3A_21 = arith.constant 0 : i32
    %broadcast_in_dim3A_22 = vector.broadcast %broadcast_in_dim3A_21 : i32 to vector<8x1xi32>
    %slice3A = vector.extract_strided_slice %get3A_3 {offsets = [0, 0], sizes = [8, 1], strides = [1, 1]} : vector<8x4096xf32> to vector<8x1xf32>
    %slice3A_23 = vector.extract_strided_slice %get3A_8 {offsets = [0, 0], sizes = [8, 1], strides = [1, 1]} : vector<8x4096xf32> to vector<8x1xf32>
    %slice3A_24 = vector.extract_strided_slice %get3A_13 {offsets = [0, 0], sizes = [8, 1], strides = [1, 1]} : vector<8x4096xf32> to vector<8x1xf32>
    %broadcast_in_dim3A_25 = arith.constant 0 : i32
    %broadcast_in_dim3A_26 = vector.broadcast %broadcast_in_dim3A_25 : i32 to vector<8x512xi32>
    %broadcast_in_dim3A_27 = arith.constant 0.000000e+00 : f32
    %broadcast_in_dim3A_28 = vector.broadcast %broadcast_in_dim3A_27 : f32 to vector<8x512xf32>
    %broadcast_in_dim3A_29 = arith.constant 0.000000e+00 : f32
    %broadcast_in_dim3A_30 = vector.broadcast %broadcast_in_dim3A_29 : f32 to vector<8x512xf32>
    %broadcast_in_dim3A_31 = arith.constant 0.000000e+00 : f32
    %broadcast_in_dim3A_32 = vector.broadcast %broadcast_in_dim3A_31 : f32 to vector<8x512xf32>
    %scan3A = arith.constant 0 : i32
    %scan3A_33 = arith.constant 512 : i32
    %scan3A_34 = arith.addi %scan3A, %scan3A_33 : i32
    %scan3A_35 = arith.constant 1 : i32
    %scan3A_36:9 = scf.for %scan3A_58 = %scan3A to %scan3A_34 step %scan3A_35 iter_args(%scan3A_59 = %broadcast_in_dim3A_20, %scan3A_60 = %broadcast_in_dim3A_22, %scan3A_61 = %slice3A, %scan3A_62 = %slice3A_23, %scan3A_63 = %slice3A_24, %scan3A_64 = %broadcast_in_dim3A_26, %scan3A_65 = %broadcast_in_dim3A_28, %scan3A_66 = %broadcast_in_dim3A_30, %scan3A_67 = %broadcast_in_dim3A_32) -> (vector<8x4096xf32>, vector<8x1xi32>, vector<8x1xf32>, vector<8x1xf32>, vector<8x1xf32>, vector<8x512xi32>, vector<8x512xf32>, vector<8x512xf32>, vector<8x512xf32>)  : i32 {
      %eq3A = vector.broadcast %scan3A_58 : i32 to vector<8x512xi32>
      %eq3A_68 = arith.cmpi eq, %and3A_19, %eq3A : vector<8x512xi32>
      %convert_element_type3A = arith.extui %eq3A_68 : vector<8x512xi1> to vector<8x512xi32>
      %convert_element_type3A_69 = arith.extui %eq3A_68 : vector<8x512xi1> to vector<8x512xi32>
      %convert_element_type3A_70 = arith.sitofp %convert_element_type3A_69 : vector<8x512xi32> to vector<8x512xf32>
      %mul3A_71 = vector.broadcast %scan3A_60 : vector<8x1xi32> to vector<8x512xi32>
      %mul3A_72 = arith.muli %convert_element_type3A, %mul3A_71 : vector<8x512xi32>
      %add3A_73 = arith.addi %scan3A_64, %mul3A_72 : vector<8x512xi32>
      %mul3A_74 = vector.broadcast %scan3A_61 : vector<8x1xf32> to vector<8x512xf32>
      %mul3A_75 = arith.mulf %convert_element_type3A_70, %mul3A_74 : vector<8x512xf32>
      %add3A_76 = arith.addf %scan3A_65, %mul3A_75 : vector<8x512xf32>
      %mul3A_77 = vector.broadcast %scan3A_62 : vector<8x1xf32> to vector<8x512xf32>
      %mul3A_78 = arith.mulf %convert_element_type3A_70, %mul3A_77 : vector<8x512xf32>
      %add3A_79 = arith.addf %scan3A_66, %mul3A_78 : vector<8x512xf32>
      %mul3A_80 = vector.broadcast %scan3A_63 : vector<8x1xf32> to vector<8x512xf32>
      %mul3A_81 = arith.mulf %convert_element_type3A_70, %mul3A_80 : vector<8x512xf32>
      %add3A_82 = arith.addf %scan3A_67, %mul3A_81 : vector<8x512xf32>
      %sub3A = vector.broadcast %scan3A_61 : vector<8x1xf32> to vector<8x4096xf32>
      %sub3A_83 = arith.subf %get3A_3, %sub3A : vector<8x4096xf32>
      %integer_pow3A = arith.mulf %sub3A_83, %sub3A_83 : vector<8x4096xf32>
      %sub3A_84 = vector.broadcast %scan3A_62 : vector<8x1xf32> to vector<8x4096xf32>
      %sub3A_85 = arith.subf %get3A_8, %sub3A_84 : vector<8x4096xf32>
      %integer_pow3A_86 = arith.mulf %sub3A_85, %sub3A_85 : vector<8x4096xf32>
      %add3A_87 = arith.addf %integer_pow3A, %integer_pow3A_86 : vector<8x4096xf32>
      %sub3A_88 = vector.broadcast %scan3A_63 : vector<8x1xf32> to vector<8x4096xf32>
      %sub3A_89 = arith.subf %get3A_13, %sub3A_88 : vector<8x4096xf32>
      %integer_pow3A_90 = arith.mulf %sub3A_89, %sub3A_89 : vector<8x4096xf32>
      %add3A_91 = arith.addf %add3A_87, %integer_pow3A_90 : vector<8x4096xf32>
      %min3A = arith.minimumf %scan3A_59, %add3A_91 : vector<8x4096xf32>
      %argmax3A = tpu.reduce_index %min3A {axis = 1 : i32, kind = #tpu.reduction_kind<arg_max>} : vector<8x4096xf32> -> vector<8xi32>
      %broadcast_in_dim3A_92 = vector.shape_cast %argmax3A : vector<8xi32> to vector<8x1xi32>
      %eq3A_93 = vector.broadcast %broadcast_in_dim3A_92 : vector<8x1xi32> to vector<8x4096xi32>
      %eq3A_94 = arith.cmpi eq, %iota3A, %eq3A_93 : vector<8x4096xi32>
      %stack3A = vector.shape_cast %get3A_3 : vector<8x4096xf32> to vector<1x8x4096xf32>
      %stack3A_95 = vector.shape_cast %get3A_8 : vector<8x4096xf32> to vector<1x8x4096xf32>
      %stack3A_96 = vector.shape_cast %get3A_13 : vector<8x4096xf32> to vector<1x8x4096xf32>
      %stack3A_97 = tpu.concatenate %stack3A, %stack3A_95, %stack3A_96 in 0 : vector<1x8x4096xf32>, vector<1x8x4096xf32>, vector<1x8x4096xf32> -> vector<3x8x4096xf32>
      %broadcast_in_dim3A_98 = vector.shape_cast %eq3A_94 : vector<8x4096xi1> to vector<1x8x4096xi1>
      %jit3A = arith.constant 0.000000e+00 : f32
      %broadcast_in_dim3A_99 = vector.shape_cast %broadcast_in_dim3A_98 : vector<1x8x4096xi1> to vector<1x8x4096xi1>
      %broadcast_in_dim3A_100 = vector.broadcast %broadcast_in_dim3A_99 : vector<1x8x4096xi1> to vector<3x8x4096xi1>
      %broadcast_in_dim3A_101 = vector.broadcast %jit3A : f32 to vector<3x8x4096xf32>
      %select_n3A = arith.select %broadcast_in_dim3A_100, %stack3A_97, %broadcast_in_dim3A_101 : vector<3x8x4096xi1>, vector<3x8x4096xf32>
      %reduce_sum3A = arith.constant dense<0.000000e+00> : vector<3x8xf32>
      %reduce_sum3A_102 = vector.multi_reduction <add>, %select_n3A, %reduce_sum3A [2] : vector<3x8x4096xf32> to vector<3x8xf32>
      %slice3A_103 = vector.extract_strided_slice %reduce_sum3A_102 {offsets = [0, 0], sizes = [1, 8], strides = [1, 1]} : vector<3x8xf32> to vector<1x8xf32>
      %squeeze3A = vector.shape_cast %slice3A_103 : vector<1x8xf32> to vector<8xf32>
      %broadcast_in_dim3A_104 = vector.shape_cast %squeeze3A : vector<8xf32> to vector<8x1xf32>
      %slice3A_105 = vector.extract_strided_slice %reduce_sum3A_102 {offsets = [1, 0], sizes = [1, 8], strides = [1, 1]} : vector<3x8xf32> to vector<1x8xf32>
      %squeeze3A_106 = vector.shape_cast %slice3A_105 : vector<1x8xf32> to vector<8xf32>
      %broadcast_in_dim3A_107 = vector.shape_cast %squeeze3A_106 : vector<8xf32> to vector<8x1xf32>
      %slice3A_108 = vector.extract_strided_slice %reduce_sum3A_102 {offsets = [2, 0], sizes = [1, 8], strides = [1, 1]} : vector<3x8xf32> to vector<1x8xf32>
      %squeeze3A_109 = vector.shape_cast %slice3A_108 : vector<1x8xf32> to vector<8xf32>
      %broadcast_in_dim3A_110 = vector.shape_cast %squeeze3A_109 : vector<8xf32> to vector<8x1xf32>
      scf.yield %min3A, %broadcast_in_dim3A_92, %broadcast_in_dim3A_104, %broadcast_in_dim3A_107, %broadcast_in_dim3A_110, %add3A_73, %add3A_76, %add3A_79, %add3A_82 : vector<8x4096xf32>, vector<8x1xi32>, vector<8x1xf32>, vector<8x1xf32>, vector<8x1xf32>, vector<8x512xi32>, vector<8x512xf32>, vector<8x512xf32>, vector<8x512xf32>
    }
    %scan3A_37 = arith.constant 512 : i32
    %swap3A = arith.constant 0 : index
    %swap3A_38 = arith.constant 0 : index
    %swap3A_39 = vector.load %arg2[%swap3A, %swap3A_38] : memref<8x512xi32, #tpu.memory_space<vmem>>, vector<8x512xi32>
    tpu.vector_store %arg2[%swap3A, %swap3A_38], %scan3A_36#5 {strides = array<i32>} : memref<8x512xi32, #tpu.memory_space<vmem>>, vector<8x512xi32>,
    %swap3A_40 = arith.constant 0 : index
    %swap3A_41 = arith.constant 0 : index
    %swap3A_42 = arith.constant 0 : index
    %swap3A_43 = vector.load %arg1[%swap3A_40, %swap3A_41, %swap3A_42] : memref<8x3x512xf32, #tpu.memory_space<vmem>>, vector<8x1x512xf32>
    %swap3A_44 = vector.shape_cast %swap3A_43 : vector<8x1x512xf32> to vector<8x512xf32>
    %swap3A_45 = vector.shape_cast %scan3A_36#6 : vector<8x512xf32> to vector<8x1x512xf32>
    tpu.vector_store %arg1[%swap3A_40, %swap3A_41, %swap3A_42], %swap3A_45 {strides = array<i32>} : memref<8x3x512xf32, #tpu.memory_space<vmem>>, vector<8x1x512xf32>,
    %swap3A_46 = arith.constant 0 : index
    %swap3A_47 = arith.constant 1 : index
    %swap3A_48 = arith.constant 0 : index
    %swap3A_49 = vector.load %arg1[%swap3A_46, %swap3A_47, %swap3A_48] : memref<8x3x512xf32, #tpu.memory_space<vmem>>, vector<8x1x512xf32>
    %swap3A_50 = vector.shape_cast %swap3A_49 : vector<8x1x512xf32> to vector<8x512xf32>
    %swap3A_51 = vector.shape_cast %scan3A_36#7 : vector<8x512xf32> to vector<8x1x512xf32>
    tpu.vector_store %arg1[%swap3A_46, %swap3A_47, %swap3A_48], %swap3A_51 {strides = array<i32>} : memref<8x3x512xf32, #tpu.memory_space<vmem>>, vector<8x1x512xf32>,
    %swap3A_52 = arith.constant 0 : index
    %swap3A_53 = arith.constant 2 : index
    %swap3A_54 = arith.constant 0 : index
    %swap3A_55 = vector.load %arg1[%swap3A_52, %swap3A_53, %swap3A_54] : memref<8x3x512xf32, #tpu.memory_space<vmem>>, vector<8x1x512xf32>
    %swap3A_56 = vector.shape_cast %swap3A_55 : vector<8x1x512xf32> to vector<8x512xf32>
    %swap3A_57 = vector.shape_cast %scan3A_36#8 : vector<8x512xf32> to vector<8x1x512xf32>
    tpu.vector_store %arg1[%swap3A_52, %swap3A_53, %swap3A_54], %swap3A_57 {strides = array<i32>} : memref<8x3x512xf32, #tpu.memory_space<vmem>>, vector<8x1x512xf32>,
    return
  }
}

module attributes {stable_mosaic.version = 14 : i64} {
  func.func @_mlp_body(%arg0: i32, %arg1: i32, %arg2: memref<1x128x336xf32, #tpu.memory_space<vmem>>, %arg3: memref<3x32xf32, #tpu.memory_space<vmem>>, %arg4: memref<1x32xf32, #tpu.memory_space<vmem>>, %arg5: memref<32x64xf32, #tpu.memory_space<vmem>>, %arg6: memref<1x64xf32, #tpu.memory_space<vmem>>, %arg7: memref<64x128xf32, #tpu.memory_space<vmem>>, %arg8: memref<1x128xf32, #tpu.memory_space<vmem>>, %arg9: memref<3x64xf32, #tpu.memory_space<vmem>>, %arg10: memref<1x64xf32, #tpu.memory_space<vmem>>, %arg11: memref<64x64xf32, #tpu.memory_space<vmem>>, %arg12: memref<1x64xf32, #tpu.memory_space<vmem>>, %arg13: memref<64x128xf32, #tpu.memory_space<vmem>>, %arg14: memref<1x128xf32, #tpu.memory_space<vmem>>, %arg15: memref<3x64xf32, #tpu.memory_space<vmem>>, %arg16: memref<1x64xf32, #tpu.memory_space<vmem>>, %arg17: memref<64x96xf32, #tpu.memory_space<vmem>>, %arg18: memref<1x96xf32, #tpu.memory_space<vmem>>, %arg19: memref<96x128xf32, #tpu.memory_space<vmem>>, %arg20: memref<1x128xf32, #tpu.memory_space<vmem>>, %arg21: memref<1x16x128xf32, #tpu.memory_space<vmem>>, %arg22: memref<1x32x128xf32, #tpu.memory_space<vmem>>, %arg23: memref<1x64x128xf32, #tpu.memory_space<vmem>>) attributes {dimension_semantics = [#tpu.dimension_semantics<arbitrary>, #tpu.dimension_semantics<arbitrary>], iteration_bounds = array<i64: 8, 4>, scalar_prefetch = 0 : i64, scratch_operands = 0 : i64, tpu.core_type = #tpu.core_type<tc>, window_params = [{transform_indices = @transform_0, window_bounds = array<i64: 1, 128, 336>}, {pipeline_mode = #tpu.pipeline_mode<synchronous>, transform_indices = @transform_1, window_bounds = array<i64: 3, 32>}, {pipeline_mode = #tpu.pipeline_mode<synchronous>, transform_indices = @transform_2, window_bounds = array<i64: 1, 32>}, {pipeline_mode = #tpu.pipeline_mode<synchronous>, transform_indices = @transform_3, window_bounds = array<i64: 32, 64>}, {pipeline_mode = #tpu.pipeline_mode<synchronous>, transform_indices = @transform_4, window_bounds = array<i64: 1, 64>}, {pipeline_mode = #tpu.pipeline_mode<synchronous>, transform_indices = @transform_5, window_bounds = array<i64: 64, 128>}, {pipeline_mode = #tpu.pipeline_mode<synchronous>, transform_indices = @transform_6, window_bounds = array<i64: 1, 128>}, {pipeline_mode = #tpu.pipeline_mode<synchronous>, transform_indices = @transform_7, window_bounds = array<i64: 3, 64>}, {pipeline_mode = #tpu.pipeline_mode<synchronous>, transform_indices = @transform_8, window_bounds = array<i64: 1, 64>}, {pipeline_mode = #tpu.pipeline_mode<synchronous>, transform_indices = @transform_9, window_bounds = array<i64: 64, 64>}, {pipeline_mode = #tpu.pipeline_mode<synchronous>, transform_indices = @transform_10, window_bounds = array<i64: 1, 64>}, {pipeline_mode = #tpu.pipeline_mode<synchronous>, transform_indices = @transform_11, window_bounds = array<i64: 64, 128>}, {pipeline_mode = #tpu.pipeline_mode<synchronous>, transform_indices = @transform_12, window_bounds = array<i64: 1, 128>}, {pipeline_mode = #tpu.pipeline_mode<synchronous>, transform_indices = @transform_13, window_bounds = array<i64: 3, 64>}, {pipeline_mode = #tpu.pipeline_mode<synchronous>, transform_indices = @transform_14, window_bounds = array<i64: 1, 64>}, {pipeline_mode = #tpu.pipeline_mode<synchronous>, transform_indices = @transform_15, window_bounds = array<i64: 64, 96>}, {pipeline_mode = #tpu.pipeline_mode<synchronous>, transform_indices = @transform_16, window_bounds = array<i64: 1, 96>}, {pipeline_mode = #tpu.pipeline_mode<synchronous>, transform_indices = @transform_17, window_bounds = array<i64: 96, 128>}, {pipeline_mode = #tpu.pipeline_mode<synchronous>, transform_indices = @transform_18, window_bounds = array<i64: 1, 128>}, {transform_indices = @transform_19, window_bounds = array<i64: 1, 16, 128>}, {transform_indices = @transform_20, window_bounds = array<i64: 1, 32, 128>}, {transform_indices = @transform_21, window_bounds = array<i64: 1, 64, 128>}]} {
    %get3A = arith.constant 0 : index
    %get3A_0 = arith.constant 0 : index
    %get3A_1 = arith.constant 0 : index
    %get3A_2 = vector.load %arg2[%get3A, %get3A_0, %get3A_1] : memref<1x128x336xf32, #tpu.memory_space<vmem>>, vector<1x128x336xf32>
    %get3A_3 = vector.shape_cast %get3A_2 : vector<1x128x336xf32> to vector<128x336xf32>
    %slice3A = vector.extract_strided_slice %get3A_3 {offsets = [0, 0], sizes = [128, 16], strides = [1, 1]} : vector<128x336xf32> to vector<128x16xf32>
    %slice3A_4 = vector.extract_strided_slice %get3A_3 {offsets = [0, 112], sizes = [128, 16], strides = [1, 1]} : vector<128x336xf32> to vector<128x16xf32>
    %slice3A_5 = vector.extract_strided_slice %get3A_3 {offsets = [0, 224], sizes = [128, 16], strides = [1, 1]} : vector<128x336xf32> to vector<128x16xf32>
    %broadcast_in_dim3A = vector.shape_cast %slice3A : vector<128x16xf32> to vector<128x16x1xf32>
    %get3A_6 = arith.constant 0 : index
    %get3A_7 = arith.constant 0 : index
    %get3A_8 = vector.load %arg3[%get3A_6, %get3A_7] : memref<3x32xf32, #tpu.memory_space<vmem>>, vector<1x32xf32>
    %get3A_9 = vector.shape_cast %get3A_8 : vector<1x32xf32> to vector<32xf32>
    %broadcast_in_dim3A_10 = vector.shape_cast %get3A_9 : vector<32xf32> to vector<1x1x32xf32>
    %mul3A = vector.broadcast %broadcast_in_dim3A : vector<128x16x1xf32> to vector<128x16x32xf32>
    %mul3A_11 = vector.broadcast %broadcast_in_dim3A_10 : vector<1x1x32xf32> to vector<128x16x32xf32>
    %mul3A_12 = arith.mulf %mul3A, %mul3A_11 : vector<128x16x32xf32>
    %broadcast_in_dim3A_13 = vector.shape_cast %slice3A_4 : vector<128x16xf32> to vector<128x16x1xf32>
    %get3A_14 = arith.constant 1 : index
    %get3A_15 = arith.constant 0 : index
    %get3A_16 = vector.load %arg3[%get3A_14, %get3A_15] : memref<3x32xf32, #tpu.memory_space<vmem>>, vector<1x32xf32>
    %get3A_17 = vector.shape_cast %get3A_16 : vector<1x32xf32> to vector<32xf32>
    %broadcast_in_dim3A_18 = vector.shape_cast %get3A_17 : vector<32xf32> to vector<1x1x32xf32>
    %mul3A_19 = vector.broadcast %broadcast_in_dim3A_13 : vector<128x16x1xf32> to vector<128x16x32xf32>
    %mul3A_20 = vector.broadcast %broadcast_in_dim3A_18 : vector<1x1x32xf32> to vector<128x16x32xf32>
    %mul3A_21 = arith.mulf %mul3A_19, %mul3A_20 : vector<128x16x32xf32>
    %add3A = arith.addf %mul3A_12, %mul3A_21 : vector<128x16x32xf32>
    %broadcast_in_dim3A_22 = vector.shape_cast %slice3A_5 : vector<128x16xf32> to vector<128x16x1xf32>
    %get3A_23 = arith.constant 2 : index
    %get3A_24 = arith.constant 0 : index
    %get3A_25 = vector.load %arg3[%get3A_23, %get3A_24] : memref<3x32xf32, #tpu.memory_space<vmem>>, vector<1x32xf32>
    %get3A_26 = vector.shape_cast %get3A_25 : vector<1x32xf32> to vector<32xf32>
    %broadcast_in_dim3A_27 = vector.shape_cast %get3A_26 : vector<32xf32> to vector<1x1x32xf32>
    %mul3A_28 = vector.broadcast %broadcast_in_dim3A_22 : vector<128x16x1xf32> to vector<128x16x32xf32>
    %mul3A_29 = vector.broadcast %broadcast_in_dim3A_27 : vector<1x1x32xf32> to vector<128x16x32xf32>
    %mul3A_30 = arith.mulf %mul3A_28, %mul3A_29 : vector<128x16x32xf32>
    %add3A_31 = arith.addf %add3A, %mul3A_30 : vector<128x16x32xf32>
    %get3A_32 = arith.constant 0 : index
    %get3A_33 = arith.constant 0 : index
    %get3A_34 = vector.load %arg4[%get3A_32, %get3A_33] : memref<1x32xf32, #tpu.memory_space<vmem>>, vector<1x32xf32>
    %get3A_35 = vector.shape_cast %get3A_34 : vector<1x32xf32> to vector<32xf32>
    %broadcast_in_dim3A_36 = vector.shape_cast %get3A_35 : vector<32xf32> to vector<1x1x32xf32>
    %add3A_37 = vector.broadcast %broadcast_in_dim3A_36 : vector<1x1x32xf32> to vector<128x16x32xf32>
    %add3A_38 = arith.addf %add3A_31, %add3A_37 : vector<128x16x32xf32>
    %max3A = arith.constant 0.000000e+00 : f32
    %max3A_39 = vector.broadcast %max3A : f32 to vector<128x16x32xf32>
    %max3A_40 = arith.maximumf %add3A_38, %max3A_39 : vector<128x16x32xf32>
    %reshape3A = vector.shape_cast %max3A_40 : vector<128x16x32xf32> to vector<2048x32xf32>
    %get3A_41 = arith.constant 0 : index
    %get3A_42 = arith.constant 0 : index
    %get3A_43 = vector.load %arg5[%get3A_41, %get3A_42] : memref<32x64xf32, #tpu.memory_space<vmem>>, vector<32x64xf32>
    %dot_general3A = arith.constant dense<0.000000e+00> : vector<2048x64xf32>
    %dot_general3A_44 = tpu.matmul %reshape3A, %get3A_43, %dot_general3A {dimension_numbers = #tpu.dot_dimension_numbers<[1], [0], [0], [1], [0, 0, 1, 1], [], []>, transpose_lhs_hint = false} : vector<2048x32xf32>, vector<32x64xf32>, vector<2048x64xf32> -> vector<2048x64xf32>
    %get3A_45 = arith.constant 0 : index
    %get3A_46 = arith.constant 0 : index
    %get3A_47 = vector.load %arg6[%get3A_45, %get3A_46] : memref<1x64xf32, #tpu.memory_space<vmem>>, vector<1x64xf32>
    %add3A_48 = vector.broadcast %get3A_47 : vector<1x64xf32> to vector<2048x64xf32>
    %add3A_49 = arith.addf %dot_general3A_44, %add3A_48 : vector<2048x64xf32>
    %max3A_50 = arith.constant 0.000000e+00 : f32
    %max3A_51 = vector.broadcast %max3A_50 : f32 to vector<2048x64xf32>
    %max3A_52 = arith.maximumf %add3A_49, %max3A_51 : vector<2048x64xf32>
    %get3A_53 = arith.constant 0 : index
    %get3A_54 = arith.constant 0 : index
    %get3A_55 = vector.load %arg7[%get3A_53, %get3A_54] : memref<64x128xf32, #tpu.memory_space<vmem>>, vector<64x128xf32>
    %dot_general3A_56 = arith.constant dense<0.000000e+00> : vector<2048x128xf32>
    %dot_general3A_57 = tpu.matmul %max3A_52, %get3A_55, %dot_general3A_56 {dimension_numbers = #tpu.dot_dimension_numbers<[1], [0], [0], [1], [0, 0, 1, 1], [], []>, transpose_lhs_hint = false} : vector<2048x64xf32>, vector<64x128xf32>, vector<2048x128xf32> -> vector<2048x128xf32>
    %get3A_58 = arith.constant 0 : index
    %get3A_59 = arith.constant 0 : index
    %get3A_60 = vector.load %arg8[%get3A_58, %get3A_59] : memref<1x128xf32, #tpu.memory_space<vmem>>, vector<1x128xf32>
    %add3A_61 = vector.broadcast %get3A_60 : vector<1x128xf32> to vector<2048x128xf32>
    %add3A_62 = arith.addf %dot_general3A_57, %add3A_61 : vector<2048x128xf32>
    %max3A_63 = arith.constant 0.000000e+00 : f32
    %max3A_64 = vector.broadcast %max3A_63 : f32 to vector<2048x128xf32>
    %max3A_65 = arith.maximumf %add3A_62, %max3A_64 : vector<2048x128xf32>
    %reshape3A_66 = vector.shape_cast %max3A_65 : vector<2048x128xf32> to vector<128x16x128xf32>
    %reduce_max3A = arith.constant dense<0xFF800000> : vector<16x128xf32>
    %reduce_max3A_67 = vector.multi_reduction <maximumf>, %reshape3A_66, %reduce_max3A [0] : vector<128x16x128xf32> to vector<16x128xf32>
    %eq3A = arith.constant 0 : i32
    %eq3A_68 = arith.cmpi eq, %arg1, %eq3A : i32
    %convert_element_type3A = arith.extui %eq3A_68 : i1 to i32
    %cond3A = arith.constant 0 : i32
    %cond3A_69 = arith.cmpi ne, %convert_element_type3A, %cond3A : i32
    scf.if %cond3A_69 {
      %swap3A = arith.constant 0 : index
      %swap3A_238 = arith.constant 0 : index
      %swap3A_239 = arith.constant 0 : index
      %swap3A_240 = vector.load %arg21[%swap3A, %swap3A_238, %swap3A_239] : memref<1x16x128xf32, #tpu.memory_space<vmem>>, vector<1x16x128xf32>
      %swap3A_241 = vector.shape_cast %swap3A_240 : vector<1x16x128xf32> to vector<16x128xf32>
      %swap3A_242 = vector.shape_cast %reduce_max3A_67 : vector<16x128xf32> to vector<1x16x128xf32>
      tpu.vector_store %arg21[%swap3A, %swap3A_238, %swap3A_239], %swap3A_242 {strides = array<i32>} : memref<1x16x128xf32, #tpu.memory_space<vmem>>, vector<1x16x128xf32>,
    } else {
    }
    %ne3A = arith.constant 0 : i32
    %ne3A_70 = arith.cmpi ne, %arg1, %ne3A : i32
    %convert_element_type3A_71 = arith.extui %ne3A_70 : i1 to i32
    %cond3A_72 = arith.constant 0 : i32
    %cond3A_73 = arith.cmpi ne, %convert_element_type3A_71, %cond3A_72 : i32
    scf.if %cond3A_73 {
      %get3A_238 = arith.constant 0 : index
      %get3A_239 = arith.constant 0 : index
      %get3A_240 = arith.constant 0 : index
      %get3A_241 = vector.load %arg21[%get3A_238, %get3A_239, %get3A_240] : memref<1x16x128xf32, #tpu.memory_space<vmem>>, vector<1x16x128xf32>
      %get3A_242 = vector.shape_cast %get3A_241 : vector<1x16x128xf32> to vector<16x128xf32>
      %max3A_243 = arith.maximumf %get3A_242, %reduce_max3A_67 : vector<16x128xf32>
      %swap3A = arith.constant 0 : index
      %swap3A_244 = arith.constant 0 : index
      %swap3A_245 = arith.constant 0 : index
      %swap3A_246 = vector.load %arg21[%swap3A, %swap3A_244, %swap3A_245] : memref<1x16x128xf32, #tpu.memory_space<vmem>>, vector<1x16x128xf32>
      %swap3A_247 = vector.shape_cast %swap3A_246 : vector<1x16x128xf32> to vector<16x128xf32>
      %swap3A_248 = vector.shape_cast %max3A_243 : vector<16x128xf32> to vector<1x16x128xf32>
      tpu.vector_store %arg21[%swap3A, %swap3A_244, %swap3A_245], %swap3A_248 {strides = array<i32>} : memref<1x16x128xf32, #tpu.memory_space<vmem>>, vector<1x16x128xf32>,
    } else {
    }
    %slice3A_74 = vector.extract_strided_slice %get3A_3 {offsets = [0, 16], sizes = [128, 32], strides = [1, 1]} : vector<128x336xf32> to vector<128x32xf32>
    %slice3A_75 = vector.extract_strided_slice %get3A_3 {offsets = [0, 128], sizes = [128, 32], strides = [1, 1]} : vector<128x336xf32> to vector<128x32xf32>
    %slice3A_76 = vector.extract_strided_slice %get3A_3 {offsets = [0, 240], sizes = [128, 32], strides = [1, 1]} : vector<128x336xf32> to vector<128x32xf32>
    %broadcast_in_dim3A_77 = vector.shape_cast %slice3A_74 : vector<128x32xf32> to vector<128x32x1xf32>
    %get3A_78 = arith.constant 0 : index
    %get3A_79 = arith.constant 0 : index
    %get3A_80 = vector.load %arg9[%get3A_78, %get3A_79] : memref<3x64xf32, #tpu.memory_space<vmem>>, vector<1x64xf32>
    %get3A_81 = vector.shape_cast %get3A_80 : vector<1x64xf32> to vector<64xf32>
    %broadcast_in_dim3A_82 = vector.shape_cast %get3A_81 : vector<64xf32> to vector<1x1x64xf32>
    %mul3A_83 = vector.broadcast %broadcast_in_dim3A_77 : vector<128x32x1xf32> to vector<128x32x64xf32>
    %mul3A_84 = vector.broadcast %broadcast_in_dim3A_82 : vector<1x1x64xf32> to vector<128x32x64xf32>
    %mul3A_85 = arith.mulf %mul3A_83, %mul3A_84 : vector<128x32x64xf32>
    %broadcast_in_dim3A_86 = vector.shape_cast %slice3A_75 : vector<128x32xf32> to vector<128x32x1xf32>
    %get3A_87 = arith.constant 1 : index
    %get3A_88 = arith.constant 0 : index
    %get3A_89 = vector.load %arg9[%get3A_87, %get3A_88] : memref<3x64xf32, #tpu.memory_space<vmem>>, vector<1x64xf32>
    %get3A_90 = vector.shape_cast %get3A_89 : vector<1x64xf32> to vector<64xf32>
    %broadcast_in_dim3A_91 = vector.shape_cast %get3A_90 : vector<64xf32> to vector<1x1x64xf32>
    %mul3A_92 = vector.broadcast %broadcast_in_dim3A_86 : vector<128x32x1xf32> to vector<128x32x64xf32>
    %mul3A_93 = vector.broadcast %broadcast_in_dim3A_91 : vector<1x1x64xf32> to vector<128x32x64xf32>
    %mul3A_94 = arith.mulf %mul3A_92, %mul3A_93 : vector<128x32x64xf32>
    %add3A_95 = arith.addf %mul3A_85, %mul3A_94 : vector<128x32x64xf32>
    %broadcast_in_dim3A_96 = vector.shape_cast %slice3A_76 : vector<128x32xf32> to vector<128x32x1xf32>
    %get3A_97 = arith.constant 2 : index
    %get3A_98 = arith.constant 0 : index
    %get3A_99 = vector.load %arg9[%get3A_97, %get3A_98] : memref<3x64xf32, #tpu.memory_space<vmem>>, vector<1x64xf32>
    %get3A_100 = vector.shape_cast %get3A_99 : vector<1x64xf32> to vector<64xf32>
    %broadcast_in_dim3A_101 = vector.shape_cast %get3A_100 : vector<64xf32> to vector<1x1x64xf32>
    %mul3A_102 = vector.broadcast %broadcast_in_dim3A_96 : vector<128x32x1xf32> to vector<128x32x64xf32>
    %mul3A_103 = vector.broadcast %broadcast_in_dim3A_101 : vector<1x1x64xf32> to vector<128x32x64xf32>
    %mul3A_104 = arith.mulf %mul3A_102, %mul3A_103 : vector<128x32x64xf32>
    %add3A_105 = arith.addf %add3A_95, %mul3A_104 : vector<128x32x64xf32>
    %get3A_106 = arith.constant 0 : index
    %get3A_107 = arith.constant 0 : index
    %get3A_108 = vector.load %arg10[%get3A_106, %get3A_107] : memref<1x64xf32, #tpu.memory_space<vmem>>, vector<1x64xf32>
    %get3A_109 = vector.shape_cast %get3A_108 : vector<1x64xf32> to vector<64xf32>
    %broadcast_in_dim3A_110 = vector.shape_cast %get3A_109 : vector<64xf32> to vector<1x1x64xf32>
    %add3A_111 = vector.broadcast %broadcast_in_dim3A_110 : vector<1x1x64xf32> to vector<128x32x64xf32>
    %add3A_112 = arith.addf %add3A_105, %add3A_111 : vector<128x32x64xf32>
    %max3A_113 = arith.constant 0.000000e+00 : f32
    %max3A_114 = vector.broadcast %max3A_113 : f32 to vector<128x32x64xf32>
    %max3A_115 = arith.maximumf %add3A_112, %max3A_114 : vector<128x32x64xf32>
    %reshape3A_116 = vector.shape_cast %max3A_115 : vector<128x32x64xf32> to vector<4096x64xf32>
    %get3A_117 = arith.constant 0 : index
    %get3A_118 = arith.constant 0 : index
    %get3A_119 = vector.load %arg11[%get3A_117, %get3A_118] : memref<64x64xf32, #tpu.memory_space<vmem>>, vector<64x64xf32>
    %dot_general3A_120 = arith.constant dense<0.000000e+00> : vector<4096x64xf32>
    %dot_general3A_121 = tpu.matmul %reshape3A_116, %get3A_119, %dot_general3A_120 {dimension_numbers = #tpu.dot_dimension_numbers<[1], [0], [0], [1], [0, 0, 1, 1], [], []>, transpose_lhs_hint = false} : vector<4096x64xf32>, vector<64x64xf32>, vector<4096x64xf32> -> vector<4096x64xf32>
    %get3A_122 = arith.constant 0 : index
    %get3A_123 = arith.constant 0 : index
    %get3A_124 = vector.load %arg12[%get3A_122, %get3A_123] : memref<1x64xf32, #tpu.memory_space<vmem>>, vector<1x64xf32>
    %add3A_125 = vector.broadcast %get3A_124 : vector<1x64xf32> to vector<4096x64xf32>
    %add3A_126 = arith.addf %dot_general3A_121, %add3A_125 : vector<4096x64xf32>
    %max3A_127 = arith.constant 0.000000e+00 : f32
    %max3A_128 = vector.broadcast %max3A_127 : f32 to vector<4096x64xf32>
    %max3A_129 = arith.maximumf %add3A_126, %max3A_128 : vector<4096x64xf32>
    %get3A_130 = arith.constant 0 : index
    %get3A_131 = arith.constant 0 : index
    %get3A_132 = vector.load %arg13[%get3A_130, %get3A_131] : memref<64x128xf32, #tpu.memory_space<vmem>>, vector<64x128xf32>
    %dot_general3A_133 = arith.constant dense<0.000000e+00> : vector<4096x128xf32>
    %dot_general3A_134 = tpu.matmul %max3A_129, %get3A_132, %dot_general3A_133 {dimension_numbers = #tpu.dot_dimension_numbers<[1], [0], [0], [1], [0, 0, 1, 1], [], []>, transpose_lhs_hint = false} : vector<4096x64xf32>, vector<64x128xf32>, vector<4096x128xf32> -> vector<4096x128xf32>
    %get3A_135 = arith.constant 0 : index
    %get3A_136 = arith.constant 0 : index
    %get3A_137 = vector.load %arg14[%get3A_135, %get3A_136] : memref<1x128xf32, #tpu.memory_space<vmem>>, vector<1x128xf32>
    %add3A_138 = vector.broadcast %get3A_137 : vector<1x128xf32> to vector<4096x128xf32>
    %add3A_139 = arith.addf %dot_general3A_134, %add3A_138 : vector<4096x128xf32>
    %max3A_140 = arith.constant 0.000000e+00 : f32
    %max3A_141 = vector.broadcast %max3A_140 : f32 to vector<4096x128xf32>
    %max3A_142 = arith.maximumf %add3A_139, %max3A_141 : vector<4096x128xf32>
    %reshape3A_143 = vector.shape_cast %max3A_142 : vector<4096x128xf32> to vector<128x32x128xf32>
    %reduce_max3A_144 = arith.constant dense<0xFF800000> : vector<32x128xf32>
    %reduce_max3A_145 = vector.multi_reduction <maximumf>, %reshape3A_143, %reduce_max3A_144 [0] : vector<128x32x128xf32> to vector<32x128xf32>
    %eq3A_146 = arith.constant 0 : i32
    %eq3A_147 = arith.cmpi eq, %arg1, %eq3A_146 : i32
    %convert_element_type3A_148 = arith.extui %eq3A_147 : i1 to i32
    %cond3A_149 = arith.constant 0 : i32
    %cond3A_150 = arith.cmpi ne, %convert_element_type3A_148, %cond3A_149 : i32
    scf.if %cond3A_150 {
      %swap3A = arith.constant 0 : index
      %swap3A_238 = arith.constant 0 : index
      %swap3A_239 = arith.constant 0 : index
      %swap3A_240 = vector.load %arg22[%swap3A, %swap3A_238, %swap3A_239] : memref<1x32x128xf32, #tpu.memory_space<vmem>>, vector<1x32x128xf32>
      %swap3A_241 = vector.shape_cast %swap3A_240 : vector<1x32x128xf32> to vector<32x128xf32>
      %swap3A_242 = vector.shape_cast %reduce_max3A_145 : vector<32x128xf32> to vector<1x32x128xf32>
      tpu.vector_store %arg22[%swap3A, %swap3A_238, %swap3A_239], %swap3A_242 {strides = array<i32>} : memref<1x32x128xf32, #tpu.memory_space<vmem>>, vector<1x32x128xf32>,
    } else {
    }
    %ne3A_151 = arith.constant 0 : i32
    %ne3A_152 = arith.cmpi ne, %arg1, %ne3A_151 : i32
    %convert_element_type3A_153 = arith.extui %ne3A_152 : i1 to i32
    %cond3A_154 = arith.constant 0 : i32
    %cond3A_155 = arith.cmpi ne, %convert_element_type3A_153, %cond3A_154 : i32
    scf.if %cond3A_155 {
      %get3A_238 = arith.constant 0 : index
      %get3A_239 = arith.constant 0 : index
      %get3A_240 = arith.constant 0 : index
      %get3A_241 = vector.load %arg22[%get3A_238, %get3A_239, %get3A_240] : memref<1x32x128xf32, #tpu.memory_space<vmem>>, vector<1x32x128xf32>
      %get3A_242 = vector.shape_cast %get3A_241 : vector<1x32x128xf32> to vector<32x128xf32>
      %max3A_243 = arith.maximumf %get3A_242, %reduce_max3A_145 : vector<32x128xf32>
      %swap3A = arith.constant 0 : index
      %swap3A_244 = arith.constant 0 : index
      %swap3A_245 = arith.constant 0 : index
      %swap3A_246 = vector.load %arg22[%swap3A, %swap3A_244, %swap3A_245] : memref<1x32x128xf32, #tpu.memory_space<vmem>>, vector<1x32x128xf32>
      %swap3A_247 = vector.shape_cast %swap3A_246 : vector<1x32x128xf32> to vector<32x128xf32>
      %swap3A_248 = vector.shape_cast %max3A_243 : vector<32x128xf32> to vector<1x32x128xf32>
      tpu.vector_store %arg22[%swap3A, %swap3A_244, %swap3A_245], %swap3A_248 {strides = array<i32>} : memref<1x32x128xf32, #tpu.memory_space<vmem>>, vector<1x32x128xf32>,
    } else {
    }
    %slice3A_156 = vector.extract_strided_slice %get3A_3 {offsets = [0, 48], sizes = [128, 64], strides = [1, 1]} : vector<128x336xf32> to vector<128x64xf32>
    %slice3A_157 = vector.extract_strided_slice %get3A_3 {offsets = [0, 160], sizes = [128, 64], strides = [1, 1]} : vector<128x336xf32> to vector<128x64xf32>
    %slice3A_158 = vector.extract_strided_slice %get3A_3 {offsets = [0, 272], sizes = [128, 64], strides = [1, 1]} : vector<128x336xf32> to vector<128x64xf32>
    %broadcast_in_dim3A_159 = vector.shape_cast %slice3A_156 : vector<128x64xf32> to vector<128x64x1xf32>
    %get3A_160 = arith.constant 0 : index
    %get3A_161 = arith.constant 0 : index
    %get3A_162 = vector.load %arg15[%get3A_160, %get3A_161] : memref<3x64xf32, #tpu.memory_space<vmem>>, vector<1x64xf32>
    %get3A_163 = vector.shape_cast %get3A_162 : vector<1x64xf32> to vector<64xf32>
    %broadcast_in_dim3A_164 = vector.shape_cast %get3A_163 : vector<64xf32> to vector<1x1x64xf32>
    %mul3A_165 = vector.broadcast %broadcast_in_dim3A_159 : vector<128x64x1xf32> to vector<128x64x64xf32>
    %mul3A_166 = vector.broadcast %broadcast_in_dim3A_164 : vector<1x1x64xf32> to vector<128x64x64xf32>
    %mul3A_167 = arith.mulf %mul3A_165, %mul3A_166 : vector<128x64x64xf32>
    %broadcast_in_dim3A_168 = vector.shape_cast %slice3A_157 : vector<128x64xf32> to vector<128x64x1xf32>
    %get3A_169 = arith.constant 1 : index
    %get3A_170 = arith.constant 0 : index
    %get3A_171 = vector.load %arg15[%get3A_169, %get3A_170] : memref<3x64xf32, #tpu.memory_space<vmem>>, vector<1x64xf32>
    %get3A_172 = vector.shape_cast %get3A_171 : vector<1x64xf32> to vector<64xf32>
    %broadcast_in_dim3A_173 = vector.shape_cast %get3A_172 : vector<64xf32> to vector<1x1x64xf32>
    %mul3A_174 = vector.broadcast %broadcast_in_dim3A_168 : vector<128x64x1xf32> to vector<128x64x64xf32>
    %mul3A_175 = vector.broadcast %broadcast_in_dim3A_173 : vector<1x1x64xf32> to vector<128x64x64xf32>
    %mul3A_176 = arith.mulf %mul3A_174, %mul3A_175 : vector<128x64x64xf32>
    %add3A_177 = arith.addf %mul3A_167, %mul3A_176 : vector<128x64x64xf32>
    %broadcast_in_dim3A_178 = vector.shape_cast %slice3A_158 : vector<128x64xf32> to vector<128x64x1xf32>
    %get3A_179 = arith.constant 2 : index
    %get3A_180 = arith.constant 0 : index
    %get3A_181 = vector.load %arg15[%get3A_179, %get3A_180] : memref<3x64xf32, #tpu.memory_space<vmem>>, vector<1x64xf32>
    %get3A_182 = vector.shape_cast %get3A_181 : vector<1x64xf32> to vector<64xf32>
    %broadcast_in_dim3A_183 = vector.shape_cast %get3A_182 : vector<64xf32> to vector<1x1x64xf32>
    %mul3A_184 = vector.broadcast %broadcast_in_dim3A_178 : vector<128x64x1xf32> to vector<128x64x64xf32>
    %mul3A_185 = vector.broadcast %broadcast_in_dim3A_183 : vector<1x1x64xf32> to vector<128x64x64xf32>
    %mul3A_186 = arith.mulf %mul3A_184, %mul3A_185 : vector<128x64x64xf32>
    %add3A_187 = arith.addf %add3A_177, %mul3A_186 : vector<128x64x64xf32>
    %get3A_188 = arith.constant 0 : index
    %get3A_189 = arith.constant 0 : index
    %get3A_190 = vector.load %arg16[%get3A_188, %get3A_189] : memref<1x64xf32, #tpu.memory_space<vmem>>, vector<1x64xf32>
    %get3A_191 = vector.shape_cast %get3A_190 : vector<1x64xf32> to vector<64xf32>
    %broadcast_in_dim3A_192 = vector.shape_cast %get3A_191 : vector<64xf32> to vector<1x1x64xf32>
    %add3A_193 = vector.broadcast %broadcast_in_dim3A_192 : vector<1x1x64xf32> to vector<128x64x64xf32>
    %add3A_194 = arith.addf %add3A_187, %add3A_193 : vector<128x64x64xf32>
    %max3A_195 = arith.constant 0.000000e+00 : f32
    %max3A_196 = vector.broadcast %max3A_195 : f32 to vector<128x64x64xf32>
    %max3A_197 = arith.maximumf %add3A_194, %max3A_196 : vector<128x64x64xf32>
    %reshape3A_198 = vector.shape_cast %max3A_197 : vector<128x64x64xf32> to vector<8192x64xf32>
    %get3A_199 = arith.constant 0 : index
    %get3A_200 = arith.constant 0 : index
    %get3A_201 = vector.load %arg17[%get3A_199, %get3A_200] : memref<64x96xf32, #tpu.memory_space<vmem>>, vector<64x96xf32>
    %dot_general3A_202 = arith.constant dense<0.000000e+00> : vector<8192x96xf32>
    %dot_general3A_203 = tpu.matmul %reshape3A_198, %get3A_201, %dot_general3A_202 {dimension_numbers = #tpu.dot_dimension_numbers<[1], [0], [0], [1], [0, 0, 1, 1], [], []>, transpose_lhs_hint = false} : vector<8192x64xf32>, vector<64x96xf32>, vector<8192x96xf32> -> vector<8192x96xf32>
    %get3A_204 = arith.constant 0 : index
    %get3A_205 = arith.constant 0 : index
    %get3A_206 = vector.load %arg18[%get3A_204, %get3A_205] : memref<1x96xf32, #tpu.memory_space<vmem>>, vector<1x96xf32>
    %add3A_207 = vector.broadcast %get3A_206 : vector<1x96xf32> to vector<8192x96xf32>
    %add3A_208 = arith.addf %dot_general3A_203, %add3A_207 : vector<8192x96xf32>
    %max3A_209 = arith.constant 0.000000e+00 : f32
    %max3A_210 = vector.broadcast %max3A_209 : f32 to vector<8192x96xf32>
    %max3A_211 = arith.maximumf %add3A_208, %max3A_210 : vector<8192x96xf32>
    %get3A_212 = arith.constant 0 : index
    %get3A_213 = arith.constant 0 : index
    %get3A_214 = vector.load %arg19[%get3A_212, %get3A_213] : memref<96x128xf32, #tpu.memory_space<vmem>>, vector<96x128xf32>
    %dot_general3A_215 = arith.constant dense<0.000000e+00> : vector<8192x128xf32>
    %dot_general3A_216 = tpu.matmul %max3A_211, %get3A_214, %dot_general3A_215 {dimension_numbers = #tpu.dot_dimension_numbers<[1], [0], [0], [1], [0, 0, 1, 1], [], []>, transpose_lhs_hint = false} : vector<8192x96xf32>, vector<96x128xf32>, vector<8192x128xf32> -> vector<8192x128xf32>
    %get3A_217 = arith.constant 0 : index
    %get3A_218 = arith.constant 0 : index
    %get3A_219 = vector.load %arg20[%get3A_217, %get3A_218] : memref<1x128xf32, #tpu.memory_space<vmem>>, vector<1x128xf32>
    %add3A_220 = vector.broadcast %get3A_219 : vector<1x128xf32> to vector<8192x128xf32>
    %add3A_221 = arith.addf %dot_general3A_216, %add3A_220 : vector<8192x128xf32>
    %max3A_222 = arith.constant 0.000000e+00 : f32
    %max3A_223 = vector.broadcast %max3A_222 : f32 to vector<8192x128xf32>
    %max3A_224 = arith.maximumf %add3A_221, %max3A_223 : vector<8192x128xf32>
    %reshape3A_225 = vector.shape_cast %max3A_224 : vector<8192x128xf32> to vector<128x64x128xf32>
    %reduce_max3A_226 = arith.constant dense<0xFF800000> : vector<64x128xf32>
    %reduce_max3A_227 = vector.multi_reduction <maximumf>, %reshape3A_225, %reduce_max3A_226 [0] : vector<128x64x128xf32> to vector<64x128xf32>
    %eq3A_228 = arith.constant 0 : i32
    %eq3A_229 = arith.cmpi eq, %arg1, %eq3A_228 : i32
    %convert_element_type3A_230 = arith.extui %eq3A_229 : i1 to i32
    %cond3A_231 = arith.constant 0 : i32
    %cond3A_232 = arith.cmpi ne, %convert_element_type3A_230, %cond3A_231 : i32
    scf.if %cond3A_232 {
      %swap3A = arith.constant 0 : index
      %swap3A_238 = arith.constant 0 : index
      %swap3A_239 = arith.constant 0 : index
      %swap3A_240 = vector.load %arg23[%swap3A, %swap3A_238, %swap3A_239] : memref<1x64x128xf32, #tpu.memory_space<vmem>>, vector<1x64x128xf32>
      %swap3A_241 = vector.shape_cast %swap3A_240 : vector<1x64x128xf32> to vector<64x128xf32>
      %swap3A_242 = vector.shape_cast %reduce_max3A_227 : vector<64x128xf32> to vector<1x64x128xf32>
      tpu.vector_store %arg23[%swap3A, %swap3A_238, %swap3A_239], %swap3A_242 {strides = array<i32>} : memref<1x64x128xf32, #tpu.memory_space<vmem>>, vector<1x64x128xf32>,
    } else {
    }
    %ne3A_233 = arith.constant 0 : i32
    %ne3A_234 = arith.cmpi ne, %arg1, %ne3A_233 : i32
    %convert_element_type3A_235 = arith.extui %ne3A_234 : i1 to i32
    %cond3A_236 = arith.constant 0 : i32
    %cond3A_237 = arith.cmpi ne, %convert_element_type3A_235, %cond3A_236 : i32
    scf.if %cond3A_237 {
      %get3A_238 = arith.constant 0 : index
      %get3A_239 = arith.constant 0 : index
      %get3A_240 = arith.constant 0 : index
      %get3A_241 = vector.load %arg23[%get3A_238, %get3A_239, %get3A_240] : memref<1x64x128xf32, #tpu.memory_space<vmem>>, vector<1x64x128xf32>
      %get3A_242 = vector.shape_cast %get3A_241 : vector<1x64x128xf32> to vector<64x128xf32>
      %max3A_243 = arith.maximumf %get3A_242, %reduce_max3A_227 : vector<64x128xf32>
      %swap3A = arith.constant 0 : index
      %swap3A_244 = arith.constant 0 : index
      %swap3A_245 = arith.constant 0 : index
      %swap3A_246 = vector.load %arg23[%swap3A, %swap3A_244, %swap3A_245] : memref<1x64x128xf32, #tpu.memory_space<vmem>>, vector<1x64x128xf32>
      %swap3A_247 = vector.shape_cast %swap3A_246 : vector<1x64x128xf32> to vector<64x128xf32>
      %swap3A_248 = vector.shape_cast %max3A_243 : vector<64x128xf32> to vector<1x64x128xf32>
      tpu.vector_store %arg23[%swap3A, %swap3A_244, %swap3A_245], %swap3A_248 {strides = array<i32>} : memref<1x64x128xf32, #tpu.memory_space<vmem>>, vector<1x64x128xf32>,
    } else {
    }
    return
  }
  func.func @transform_0(%arg0: i32, %arg1: i32) -> (i32, i32, i32) {
    %c0_i32 = arith.constant 0 : i32
    %c0_i32_0 = arith.constant 0 : i32
    return %arg0, %arg1, %c0_i32 : i32, i32, i32
  }
  func.func @transform_1(%arg0: i32, %arg1: i32) -> (i32, i32) {
    %c0_i32 = arith.constant 0 : i32
    %c0_i32_0 = arith.constant 0 : i32
    %c0_i32_1 = arith.constant 0 : i32
    return %c0_i32, %c0_i32_0 : i32, i32
  }
  func.func @transform_2(%arg0: i32, %arg1: i32) -> (i32, i32) {
    %c0_i32 = arith.constant 0 : i32
    %c0_i32_0 = arith.constant 0 : i32
    %c0_i32_1 = arith.constant 0 : i32
    return %c0_i32, %c0_i32_0 : i32, i32
  }
  func.func @transform_3(%arg0: i32, %arg1: i32) -> (i32, i32) {
    %c0_i32 = arith.constant 0 : i32
    %c0_i32_0 = arith.constant 0 : i32
    %c0_i32_1 = arith.constant 0 : i32
    return %c0_i32, %c0_i32_0 : i32, i32
  }
  func.func @transform_4(%arg0: i32, %arg1: i32) -> (i32, i32) {
    %c0_i32 = arith.constant 0 : i32
    %c0_i32_0 = arith.constant 0 : i32
    %c0_i32_1 = arith.constant 0 : i32
    return %c0_i32, %c0_i32_0 : i32, i32
  }
  func.func @transform_5(%arg0: i32, %arg1: i32) -> (i32, i32) {
    %c0_i32 = arith.constant 0 : i32
    %c0_i32_0 = arith.constant 0 : i32
    %c0_i32_1 = arith.constant 0 : i32
    return %c0_i32, %c0_i32_0 : i32, i32
  }
  func.func @transform_6(%arg0: i32, %arg1: i32) -> (i32, i32) {
    %c0_i32 = arith.constant 0 : i32
    %c0_i32_0 = arith.constant 0 : i32
    %c0_i32_1 = arith.constant 0 : i32
    return %c0_i32, %c0_i32_0 : i32, i32
  }
  func.func @transform_7(%arg0: i32, %arg1: i32) -> (i32, i32) {
    %c0_i32 = arith.constant 0 : i32
    %c0_i32_0 = arith.constant 0 : i32
    %c0_i32_1 = arith.constant 0 : i32
    return %c0_i32, %c0_i32_0 : i32, i32
  }
  func.func @transform_8(%arg0: i32, %arg1: i32) -> (i32, i32) {
    %c0_i32 = arith.constant 0 : i32
    %c0_i32_0 = arith.constant 0 : i32
    %c0_i32_1 = arith.constant 0 : i32
    return %c0_i32, %c0_i32_0 : i32, i32
  }
  func.func @transform_9(%arg0: i32, %arg1: i32) -> (i32, i32) {
    %c0_i32 = arith.constant 0 : i32
    %c0_i32_0 = arith.constant 0 : i32
    %c0_i32_1 = arith.constant 0 : i32
    return %c0_i32, %c0_i32_0 : i32, i32
  }
  func.func @transform_10(%arg0: i32, %arg1: i32) -> (i32, i32) {
    %c0_i32 = arith.constant 0 : i32
    %c0_i32_0 = arith.constant 0 : i32
    %c0_i32_1 = arith.constant 0 : i32
    return %c0_i32, %c0_i32_0 : i32, i32
  }
  func.func @transform_11(%arg0: i32, %arg1: i32) -> (i32, i32) {
    %c0_i32 = arith.constant 0 : i32
    %c0_i32_0 = arith.constant 0 : i32
    %c0_i32_1 = arith.constant 0 : i32
    return %c0_i32, %c0_i32_0 : i32, i32
  }
  func.func @transform_12(%arg0: i32, %arg1: i32) -> (i32, i32) {
    %c0_i32 = arith.constant 0 : i32
    %c0_i32_0 = arith.constant 0 : i32
    %c0_i32_1 = arith.constant 0 : i32
    return %c0_i32, %c0_i32_0 : i32, i32
  }
  func.func @transform_13(%arg0: i32, %arg1: i32) -> (i32, i32) {
    %c0_i32 = arith.constant 0 : i32
    %c0_i32_0 = arith.constant 0 : i32
    %c0_i32_1 = arith.constant 0 : i32
    return %c0_i32, %c0_i32_0 : i32, i32
  }
  func.func @transform_14(%arg0: i32, %arg1: i32) -> (i32, i32) {
    %c0_i32 = arith.constant 0 : i32
    %c0_i32_0 = arith.constant 0 : i32
    %c0_i32_1 = arith.constant 0 : i32
    return %c0_i32, %c0_i32_0 : i32, i32
  }
  func.func @transform_15(%arg0: i32, %arg1: i32) -> (i32, i32) {
    %c0_i32 = arith.constant 0 : i32
    %c0_i32_0 = arith.constant 0 : i32
    %c0_i32_1 = arith.constant 0 : i32
    return %c0_i32, %c0_i32_0 : i32, i32
  }
  func.func @transform_16(%arg0: i32, %arg1: i32) -> (i32, i32) {
    %c0_i32 = arith.constant 0 : i32
    %c0_i32_0 = arith.constant 0 : i32
    %c0_i32_1 = arith.constant 0 : i32
    return %c0_i32, %c0_i32_0 : i32, i32
  }
  func.func @transform_17(%arg0: i32, %arg1: i32) -> (i32, i32) {
    %c0_i32 = arith.constant 0 : i32
    %c0_i32_0 = arith.constant 0 : i32
    %c0_i32_1 = arith.constant 0 : i32
    return %c0_i32, %c0_i32_0 : i32, i32
  }
  func.func @transform_18(%arg0: i32, %arg1: i32) -> (i32, i32) {
    %c0_i32 = arith.constant 0 : i32
    %c0_i32_0 = arith.constant 0 : i32
    %c0_i32_1 = arith.constant 0 : i32
    return %c0_i32, %c0_i32_0 : i32, i32
  }
  func.func @transform_19(%arg0: i32, %arg1: i32) -> (i32, i32, i32) {
    %c0_i32 = arith.constant 0 : i32
    %c0_i32_0 = arith.constant 0 : i32
    %c0_i32_1 = arith.constant 0 : i32
    return %arg0, %c0_i32, %c0_i32_0 : i32, i32, i32
  }
  func.func @transform_20(%arg0: i32, %arg1: i32) -> (i32, i32, i32) {
    %c0_i32 = arith.constant 0 : i32
    %c0_i32_0 = arith.constant 0 : i32
    %c0_i32_1 = arith.constant 0 : i32
    return %arg0, %c0_i32, %c0_i32_0 : i32, i32, i32
  }
  func.func @transform_21(%arg0: i32, %arg1: i32) -> (i32, i32, i32) {
    %c0_i32 = arith.constant 0 : i32
    %c0_i32_0 = arith.constant 0 : i32
    %c0_i32_1 = arith.constant 0 : i32
    return %arg0, %c0_i32, %c0_i32_0 : i32, i32, i32
  }
}

</mosaic_0001>

<sc_bundles>
// kernel: kernel.5.cloned.1.call-start
scs
__scs_entry_jumppad:
0x0: {  	(pc) =	sbr.rel $0x88, $3  }
0x1: {  	(tag) =	ssettag $0x0;
	lr =	simm.s32 $0x1  }
0x2: {  	[smem:$0x3F8E] =	sst lr;
	_ =	strace $0xD0000000  }
0x3: {  	_ = 	snop  }
0x4: {  	_ = 	snop  }
0x5: {  	_ = 	snop  }
0x6: {  	_ = 	snop  }
0x7: {  	_ = 	snop  }
__scs_overlays_trampoline_lowered:
0x8: {  	[smem:$0x3F9D] =	sst s0  }
0x9: {  	[smem:$0x3F9E] =	sst s1  }
0xa: {  	[smem:$0x3F9F] =	sst s2  }
0xb: {  	[smem:$0x3FA0] =	sst s3  }
0xc: {  	[smem:$0x3FA1] =	sst s4  }
0xd: {  	[smem:$0x3FA2] =	sst s5  }
0xe: {  	[smem:$0x3FA3] =	sst s6  }
0xf: {  	[smem:$0x3FA4] =	sst s7  }
0x10: {  	[smem:$0x3FA5] =	sst s8  }
0x11: {  	[smem:$0x3FA6] =	sst s9;
	s0 =	simm.s32 @!p0 $0x0  }
0x12: {  	s1 =	sld [smem:$0x3F8C];
	s0 =	simm.s32 @p0 $0x1  }
0x13: {  	[smem:$0x3FA7] =	sst s0;
	s0 =	simm.s32 @!p1 $0x0  }
0x14: {  	s2 =	sld [smem:$0x3F8B];
	s0 =	simm.s32 @p1 $0x1  }
0x15: {  	[smem:$0x3FA8] =	sst s0;
	s0 =	simm.s32 @!p2 $0x0  }
0x16: {  	s3 =	sld [smem:$0x3FDB];
	s0 =	simm.s32 @p2 $0x1  }
0x17: {  	s4 =	simm.s32 $0x1BF5;
	[smem:$0x3FAA] =	sst s0  }
0x18: {  	s0 =	sld [smem:$0x3F8D];
	_ =	swait.ge [sflag:s4], $0x0  }
0x19: {  	s7 =	sld [smem:$0x3F8E]  }
0x1a: {  	s8 =	sadd.s32 $0xFFFFE003, lr  }
0x1b: {  	s9 =	sadd.s32 $0xFFFFFEF7, lr;
	s5 =	simm.s32 $0xFFFFFFFF;
	p2 =	slt.u32 s8, $0xFFFFF086  }
0x1c: {  	p1 =	slt.u32 s9, $0xF7A;
	s5 =	simm.s32 @!p2 $0x0  }
0x1d: {  	s5 =	simm.s32 @p1 $0x1;
	p0 =	seq.s32 s7, s2  }
0x1e: {  	s7 =	smul.u32 @!p0 $0xF7A, s2;
	p2 =	seq.s32 @!p0 s5, $0x0  }
0x1f: {  	s9 =	smul.u32 $0xF7A, s1;
	s8 =	simm.s32 @!p0 $0x1BF5;
	p2 =	por !p2, p0  }
0x20: {  	[sflag:s8] =	ssyncset.s32 @!p0 $0xFFFFF086;
	s6 =	sadd.s32 @!p0 s3, s7;
	s7 =	simm.s32 @!p0 $0x108  }
0x21: {  	s3 =	sadd.s32 s3, s9;
	s6 =	sadd.s32 @!p0 $0x88, s6;
	s7 =	simm.s32 @p2 $0x1082  }
0x22: {  	[simem:s7], [sflag:s8] =	dma.local @!p0 [hbm:s6], $0xF7A  }
0x23: {  	s9 =	sor.u32 $0xD0000000, s2;
	s6 =	simm.s32 $0x108;
	_ =	swait.ge @!p0 [sflag:s8], $0x0  }
0x24: {  	s3 =	sadd.s32 $0x88, s3;
	s6 =	simm.s32 @!p1 $0x1082;
	[sflag:s4] =	ssyncset.s32 $0xFFFFF086  }
0x25: {  	[simem:s6], [sflag:s4] =	dma.local [hbm:s3], $0xF7A  }
0x26: {  	[smem:$0x3F8E] =	sst s1;
	(tag) =	ssettag s2;
	_ =	strace s9  }
0x27: {  	s1 =	sld [smem:$0x3F9E]  }
0x28: {  	s2 =	sld [smem:$0x3F9F]  }
0x29: {  	s4 =	sld [smem:$0x3FA1]  }
0x2a: {  	p0 =	seq.s32 s5, $0x0;
	s5 =	sld [smem:$0x3FA2]  }
0x2b: {  	s6 =	sld [smem:$0x3FA3]  }
0x2c: {  	s7 =	sld [smem:$0x3FA4]  }
0x2d: {  	s3 =	simm.s32 $0x108;
	s8 =	sld [smem:$0x3FA5]  }
0x2e: {  	s3 =	simm.s32 @!p0 $0x1082;
	s9 =	sld [smem:$0x3FA6]  }
0x2f: {  	lr =	sadd.s32 s0, s3;
	s0 =	sld [smem:$0x3F9D]  }
0x30: {  	s3 =	sld [smem:$0x3FA0]  }
0x31: {  	[smem:$0x3FA9] =	sst s10  }
0x32: {  	s10 =	sld [smem:$0x3FA7];
	_ =	sdelay $0x3  }
0x33: {  	p0 =	seq.s32 s10, $0x1;
	s10 =	sld [smem:$0x3FA9];
	_ =	sdelay $0x3  }
0x34: {  	[smem:$0x3FA9] =	sst s10  }
0x35: {  	s10 =	sld [smem:$0x3FA8];
	_ =	sdelay $0x3  }
0x36: {  	p1 =	seq.s32 s10, $0x1;
	s10 =	sld [smem:$0x3FA9];
	_ =	sdelay $0x3  }
0x37: {  	[smem:$0x3FA9] =	sst s10  }
0x38: {  	s10 =	sld [smem:$0x3FAA]  }
0x39: {  	_ = 	snop;
	(pc) =	sbr.ind lr, $3  }
0x3a: {  	_ = 	snop  }
0x3b: {  	_ = 	snop  }
0x3c: {  	p2 =	seq.s32 s10, $0x1;
	s10 =	sld [smem:$0x3FA9]  }
0x3d: {  	_ =	shalt  }
0x3e: {  	_ =	shalt  }
0x3f: {  	_ =	shalt  }
0x40: {  	_ =	shalt  }
0x41: {  	_ =	shalt  }
0x42: {  	_ =	shalt  }
0x43: {  	_ =	shalt  }
0x44: {  	_ =	shalt  }
0x45: {  	_ =	shalt  }
0x46: {  	_ =	shalt  }
0x47: {  	_ =	shalt  }
0x48: {  	_ =	shalt  }
0x49: {  	_ =	shalt  }
0x4a: {  	_ =	shalt  }
0x4b: {  	_ =	shalt  }
0x4c: {  	_ =	shalt  }
0x4d: {  	_ =	shalt  }
0x4e: {  	_ =	shalt  }
0x4f: {  	_ =	shalt  }
0x50: {  	_ =	shalt  }
0x51: {  	_ =	shalt  }
0x52: {  	_ =	shalt  }
0x53: {  	_ =	shalt  }
0x54: {  	_ =	shalt  }
0x55: {  	_ =	shalt  }
0x56: {  	_ =	shalt  }
0x57: {  	_ =	shalt  }
0x58: {  	_ =	shalt  }
0x59: {  	_ =	shalt  }
0x5a: {  	_ =	shalt  }
0x5b: {  	_ =	shalt  }
0x5c: {  	_ =	shalt  }
0x5d: {  	_ =	shalt  }
0x5e: {  	_ =	shalt  }
0x5f: {  	_ =	shalt  }
0x60: {  	_ =	shalt  }
0x61: {  	_ =	shalt  }
0x62: {  	_ =	shalt  }
0x63: {  	_ =	shalt  }
0x64: {  	_ =	shalt  }
0x65: {  	_ =	shalt  }
0x66: {  	_ =	shalt  }
0x67: {  	_ =	shalt  }
0x68: {  	_ =	shalt  }
0x69: {  	_ =	shalt  }
0x6a: {  	_ =	shalt  }
0x6b: {  	_ =	shalt  }
0x6c: {  	_ =	shalt  }
0x6d: {  	_ =	shalt  }
0x6e: {  	_ =	shalt  }
0x6f: {  	_ =	shalt  }
0x70: {  	_ =	shalt  }
0x71: {  	_ =	shalt  }
0x72: {  	_ =	shalt  }
0x73: {  	_ =	shalt  }
0x74: {  	_ =	shalt  }
0x75: {  	_ =	shalt  }
0x76: {  	_ =	shalt  }
0x77: {  	_ =	shalt  }
0x78: {  	_ =	shalt  }
0x79: {  	_ =	shalt  }
0x7a: {  	_ =	shalt  }
0x7b: {  	_ =	shalt  }
0x7c: {  	_ =	shalt  }
0x7d: {  	_ =	shalt  }
0x7e: {  	_ =	shalt  }
0x7f: {  	_ =	shalt  }
0x80: {  	_ =	shalt  }
0x81: {  	_ =	shalt  }
0x82: {  	_ =	shalt  }
0x83: {  	_ =	shalt  }
0x84: {  	_ =	shalt  }
0x85: {  	_ =	shalt  }
0x86: {  	_ =	shalt  }
0x87: {  	_ =	shalt  }
.Lfunc_end0:
.L_simem_size_0:
called_computation_lowered:
.L_overlay_start_0:
0x88: {  	s2 =	sld [smem:$0x3FD9]  }
0x89: {  	s3 =	sld [smem:$0x3FFE];
	_ =	sdelay $0x1  }
0x8a: {  	s1 =	srdreg.scid  }
0x8b: {  	s0 =	sand.u32 $0x1, s1  }
0x8c: {  	s14 =	sshll.u32 s0, $0xA;
	s2 =	sadd.s32 s3, s2  }
0x8d: {  	s2 =	sadd.s32 s2, s14  }
0x8e: {  	[smem:$0x3FB5] =	sst s2  }
0x8f: {  	_ = 	snop  }
0x90: {  	s2 =	sld [smem:$0x3FD0];
	_ =	sdelay $0x2  }
0x91: {  	s15 =	simm.s32 $0xA;
	s4 =	simm.s32 $0x10  }
0x92: {  	[smem:s4], [sflag:s15] =	dma.local [hbm:s2], $0x1  }
0x93: {  	_ =	swait.eq [sflag:s15], $0x1  }
0x94: {  	[sflag:s15] =	ssyncset.done $0x0  }
0x95: {  	[sflag:s15] =	ssyncadd.s32 $0xFFFFFFFF  }
0x96: {  	s16 =	sld [smem:$0x11];
	(tm) =	ssettm $0x1  }
0x97: {  	s17 =	sld [smem:$0x3FFB];
	_ =	sdelay $0x3  }
0x98: {  	_ =	strace s17  }
0x99: {  	s3 =	sld [smem:$0x3FFC];
	_ =	sdelay $0x3  }
0x9a: {  	_ =	strace s3  }
0x9b: {  	s3 =	sld [smem:$0x3FFD];
	_ =	sdelay $0x3  }
0x9c: {  	_ =	strace s3  }
0x9d: {  	_ =	strace $0x8FFFFFFF  }
0x9e: {  	s18 =	sld [smem:$0x3FDB];
	_ =	sdelay $0x1  }
0x9f: {  	s19 =	simm.s32 $_scs_section_size  }
0xa0: {  	s5 =	simm.s32 $_size__tile_overlayer_lowered;
	s6 =	simm.s32 $_tile_overlayer_lowered  }
0xa1: {  	s22 =	simm.s32 $0x1BFF;
	s21 =	sshll.u32 s6, $0x1;
	s3 =	sadd.s32 s19, s18  }
0xa2: {  	s7 =	simm.s32 $0x0;
	s20 =	sshll.u32 s5, $0x1;
	s5 =	sadd.s32 s21, s3  }
0xa3: {  	[timem:s7], [sflag:s22] =	dma.local [hbm:s5], s20  }
0xa4: {  	_ =	swait.ge [sflag:s22], s20  }
0xa5: {  	s4 =	ssub.s32 $0x0, s20;
	[sflag:s22] =	ssyncset.done $0x0  }
0xa6: {  	[sflag:s22] =	ssyncadd.s32 s4;
	_ =	sdelay $0x1  }
0xa7: {  	s23 =	simm.s32 $0x1B8B  }
0xa8: {  	_ =	swait.ge [sflag:s23], $0x1  }
0xa9: {  	[sflag:s23] =	ssyncset.done $0x0  }
0xaa: {  	s25 =	simm.s32 $0x1B8E;
	s24 =	sld [smem:$0x3FFE];
	[sflag:s23] =	ssyncadd.s32 $0xFFFFFFFF  }
0xab: {  	s26 =	simm.s32 $execute0_lowered;
	[smem:$0x3FD2] =	sst s25  }
0xac: {  	s5 =	sshll.u32 s26, $0x1;
	_ =	strace $0x80000046;
	[dreg:$0x1] =	wrdreg $0xFFFFFFFF  }
0xad: {  	s28 =	simm.s32 $_size_execute0_lowered;
	s3 =	sadd.s32 s3, s5;
	[dreg:$0x0] =	wrdreg $0x0  }
0xae: {  	s5 =	sshll.u32 s28, $0x1;
	[dreg:$0x2] =	wrdreg s3  }
0xaf: {  	[dreg:$0x3] =	wrdreg s5  }
0xb0: {  	[dreg:$0x4] =	wrdreg $0xC0  }
0xb1: {  	_ =	task [dreg:s7], $0x5FFFF  }
0xb2: {  	[dreg:$0x1] =	wrdreg $0xFFFFFFFF  }
0xb3: {  	[dreg:$0x0] =	wrdreg $0x60  }
0xb4: {  	[dreg:$0x2] =	wrdreg s16  }
0xb5: {  	[dreg:$0x3] =	wrdreg s24  }
0xb6: {  	[dreg:$0x4] =	wrdreg $0x9  }
0xb7: {  	_ =	task.clear_ibuf [dreg:s7], $0x5FFFF;
	_ =	strace $0x90000046  }
0xb8: {  	s29 =	simm.s32 $0x9;
	_ =	strace $0x80000048  }
0xb9: {  	_ =	swait.ge [sflag:s29], $0x1  }
0xba: {  	[sflag:s29] =	ssyncadd.s32 $0xFFFFFFFF  }
0xbb: {  	_ =	strace $0x90000048  }
0xbc: {  	_ =	sfence  }
0xbd: {  	s30 =	sld [smem:$0x0];
	_ =	sdelay $0x2  }
0xbe: {  	s31 =	sshll.u32 s1, $0xD;
	s1 =	sshrl.u32 s1, $0x2  }
0xbf: {  	s3 =	sand.u32 $0x4000, s31;
	s1 =	sadd.s32 s1, s30  }
0xc0: {  	s0 =	sor.u32 s3, s0;
	s1 =	sshll.u32 s1, $0x11  }
0xc1: {  	s0 =	sor.u32 s1, s0  }
0xc2: {  	s0 =	sadd.s32 $0x8F2B, s0  }
0xc3: {  	[sflag:s0] =	ssyncadd.remote.s32 $0x1  }
0xc4: {  	_ =	sfence.sel $0xFFFF  }
0xc5: {  	[dreg:$0x0] =	wrdreg $0xFFFFFFFF;
	(pc) =	sbr.abs _section_cstart, $3  }
0xc6: {  	[dreg:$0x1] =	wrdreg $0xFFFFFFFF  }
0xc7: {  	_ =	task.clear_ibuf [dreg:s7], $0x2FFFF;
	_ =	strace $0x9FFFFFFF  }
0xc8: {  	(tm) =	ssettm $0x7FFFFFFF  }
0xc9: {  	_ =	shalt  }
tec
execute0_lowered:
.L_overlay_start_1:
0x0: {  	(tag) =	ssettag $0x1  }
0x1: {  	s6 =	rddreg [dreg:$0x0]  }
0x2: {  	s3 =	rddreg [dreg:$0x1]  }
0x3: {  	s0 =	stileid.u32;
	s1 =	rddreg [dreg:$0x2];
	s2 =	simm.s32 $0x0  }
0x4: {  	s23 =	srdreg.scid;
	s14 =	simm.s32 $0x1000;
	s15 =	simm.s32 $0x2000  }
0x5: {  	s16 =	simm.s32 $0x3000;
	s17 =	simm.s32 $0x3380;
	s18 =	simm.s32 $0x3400  }
0x6: {  	s19 =	simm.s32 $0x3480;
	s20 =	simm.s32 $0x3200;
	s9 =	sshrl.u32 s0, $0x1  }
0x7: {  	s21 =	simm.s32 $0x0;
	[smem:$0x7FF] =	sst s2;
	s4 =	smul.u32 $0x3000, s9  }
0x8: {  	s10 =	sand.u32 $0x1, s23;
	s31 =	sshll.u32 s0, $0x8;
	s7 =	smul.u32 $0x180, s9  }
0x9: {  	s5 =	sshll.u32 s9, $0x4;
	_ =	strace $0x80000047;
	s24 =	smul.u32 $0x3, s9  }
0xa: {  	s25 =	ssub.s32 $0x2, s10;
	s10 =	sshll.u32 s10, $0x7;
	s9 =	sshll.u32 s9, $0x9  }
0xb: {  	s8 =	sadd.s32 s5, s3;
	s3 =	sadd.s32 $0x3200, s3;
	s11 =	sshrl.u32 s25, $0x1  }
0xc: {  	s4 =	sor.u32 s7, s4;
	s12 =	sadd.s32 $0x1, s24;
	s11 =	ssub.s32 s25, s11  }
0xd: {  	s13 =	sadd.s32 $0x2, s24;
	s4 =	sand.u32 $0x18380, s4;
	s26 =	sshll.u32 s12, $0x4  }
0xe: {  	s12 =	sshll.u32 s12, $0x9;
	s29 =	sshll.u32 s13, $0x4;
	s30 =	sshll.u32 s13, $0x9  }
0xf: {  	s13 =	simm.s32 $0x1;
	s4 =	sshrl.u32 s4, $0x3;
	s7 =	sand.u32 $0x70, s26  }
.Ltmp0:
0x10: {  	s28 =	sand.u32 $0x7000, s12;
	s12 =	sand.u32 $0x70, s29;
	(pc) =	sbr.rel .LBB2_1-.Ltmp0, $4  }
0x11: {  	s4 =	sadd.s32 s6, s4;
	s7 =	sadd.s32 s6, s7;
	s6 =	sadd.s32 s6, s12  }
0x12: {  	s12 =	sand.u32 $0x100, s31;
	s5 =	sadd.s32 s28, s7;
	s7 =	sand.u32 $0x7000, s30  }
0x13: {  	s6 =	sadd.s32 s7, s6;
	s7 =	sadd.s32 $0x3000, s8;
	s8 =	sor.u32 s10, s12  }
0x14: {  	v0 =	vlaneseq.u32;
	v1 =	vimm.s32 $0x0;
	s10 =	smax.u32 s11, $0x1;
	s11 =	simm.s32 $0x80;
	s12 =	simm.s32 $0x400  }
.LBB2_11:
0x15: {  	s21 =	sadd.s32 $0x1, s21  }
0x16: {  	p0 =	sne.s32 s21, s10  }
.Ltmp1:
0x17: {  	_ = 	snop;
	(pc) =	sbr.rel @!p0 .LBB2_12-.Ltmp1, $1  }
0x18: {  	_ =	sdelay $0x3  }
.LBB2_1:
0x19: {  	[tilespmem:s2], [sflag:$0x1] =	stream.strided.gather [hbm4b:s4+s11], $0x1000, s12, s11, $0x38;
	[tilespmem:$0x3500] =	vst v63  }
0x1a: {  	_ =	swait.ge [sflag:s13], $0x1000  }
0x1b: {  	[sflag:s13] =	ssyncset.done $0x0  }
0x1c: {  	[sflag:s13] =	ssyncadd.s32 $0xFFFFF000  }
0x1d: {  	[tilespmem:s14], [sflag:$0x1] =	stream.strided.gather [hbm4b:s5+s11], $0x1000, s12, s11, $0x38;
	[tilespmem:$0x3500] =	vst v63  }
0x1e: {  	_ =	swait.ge [sflag:s13], $0x1000  }
0x1f: {  	[sflag:s13] =	ssyncset.done $0x0  }
0x20: {  	[sflag:s13] =	ssyncadd.s32 $0xFFFFF000  }
0x21: {  	[tilespmem:s15], [sflag:$0x1] =	stream.strided.gather [hbm4b:s6+s11], $0x1000, s12, s11, $0x38;
	[tilespmem:$0x3500] =	vst v63  }
0x22: {  	_ =	swait.ge [sflag:s13], $0x1000  }
0x23: {  	[sflag:s13] =	ssyncset.done $0x0  }
.Ltmp2:
0x24: {  	[sflag:s13] =	ssyncadd.s32 $0xFFFFF000;
	(pc) =	sbr.rel .LBB2_2-.Ltmp2, $4  }
0x25: {  	[tilespmem:s16], [sflag:$0x1] =	stream.strided.gather [hbm4b:s7+s11], $0x200, s12, s11, $0x38;
	[tilespmem:$0x3500] =	vst v63  }
0x26: {  	_ =	swait.ge [sflag:s13], $0x200  }
0x27: {  	[sflag:s13] =	ssyncset.done $0x0  }
0x28: {  	s22 =	simm.s32 $0x0;
	[sflag:s13] =	ssyncadd.s32 $0xFFFFFE00  }
.LBB2_10:
0x29: {  	v9 =	vxor.u32 $0x80000000, v9  }
0x2a: {  	(xrf0) =	vmin.scan.msk.u32 $0xffff, v9;
	_ =	sdelay $0x5  }
0x2b: {  	v9, _, _ =	vpop (xrf0)  }
0x2c: {  	(v2sf) =	vpush v9, $0xF;
	_ =	sdelay $0xb  }
0x2d: {  	v47 =	vld [tilespmem:$0x3380];
	_ =	sdelay $0x2  }
0x2e: {  	s24 =	spop (v2sf)  }
0x2f: {  	vm0 =	vgt.s32 v14, v0;
	v8 =	vxor.u32 $0x80000000, v8;
	s24 =	sxor.u32 $0x80000000, s24  }
0x30: {  	(xrf0) =	vmin.scan.msk.u32 $0xffff, v8;
	v9 =	vnsel vm0, s24, v47;
	_ =	sdelay $0x4  }
0x31: {  	v48 =	vld.idx.msk [tilespmem:v9+s2+$0x0], $0xffff  }
0x32: {  	v10, _, _ =	vpop (xrf0)  }
0x33: {  	(v2sf) =	vpush v10, $0xF;
	_ =	sdelay $0x2  }
0x34: {  	v8 =	vsub.f32 v48, v4;
	_ =	sdelay $0x1  }
0x35: {  	[tilespmem:$0x3200] =	vst v8  }
0x36: {  	v8 =	vld.idx.msk [tilespmem:v9+s14+$0x0], $0xffff;
	_ =	sdelay $0x4  }
0x37: {  	v8 =	vsub.f32 v8, v3  }
0x38: {  	v49 =	vld [tilespmem:$0x3400]  }
0x39: {  	[tilespmem:$0x3270] =	vst v8  }
0x3a: {  	v8 =	vld.idx.msk [tilespmem:v9+s15+$0x0], $0xffff  }
0x3b: {  	s29 =	spop (v2sf)  }
0x3c: {  	vm10 =	vgt.s32 v7, v0;
	s24 =	sxor.u32 $0x80000000, s29  }
0x3d: {  	v50 =	vnsel vm10, s24, v49;
	_ =	sdelay $0x1  }
0x3e: {  	v8 =	vsub.f32 v8, v2;
	_ =	sdelay $0x1  }
0x3f: {  	[tilespmem:$0x32E0] =	vst v8  }
0x40: {  	v8 =	vld.idx.msk [tilespmem:v50+s2+$0x0], $0xffff;
	_ =	sdelay $0x4  }
0x41: {  	v8 =	vsub.f32 v8, v4;
	_ =	sdelay $0x1  }
0x42: {  	[tilespmem:$0x3210] =	vst v8  }
0x43: {  	v8 =	vld.idx.msk [tilespmem:v50+s14+$0x0], $0xffff;
	_ =	sdelay $0x4  }
0x44: {  	v8 =	vsub.f32 v8, v3  }
0x45: {  	v51 =	vld [tilespmem:$0x3410]  }
0x46: {  	[tilespmem:$0x3280] =	vst v8  }
0x47: {  	v8 =	vld.idx.msk [tilespmem:v50+s15+$0x0], $0xffff  }
0x48: {  	v52 =	vor.u32 $0x10, v0  }
0x49: {  	v6 =	vxor.u32 $0x80000000, v6;
	vm11 =	vgt.s32 v7, v52  }
0x4a: {  	(xrf0) =	vmin.scan.msk.u32 $0xffff, v6;
	v7 =	vnsel vm11, s24, v51;
	_ =	sdelay $0x1  }
0x4b: {  	v53 =	vsub.f32 v8, v2;
	_ =	sdelay $0x1  }
0x4c: {  	[tilespmem:$0x32F0] =	vst v53  }
0x4d: {  	v6 =	vld.idx.msk [tilespmem:v7+s2+$0x0], $0xffff  }
0x4e: {  	v54, _, _ =	vpop (xrf0)  }
0x4f: {  	(v2sf) =	vpush v54, $0xF;
	_ =	sdelay $0x2  }
0x50: {  	v6 =	vsub.f32 v6, v4;
	_ =	sdelay $0x1  }
0x51: {  	[tilespmem:$0x3220] =	vst v6  }
0x52: {  	v6 =	vld.idx.msk [tilespmem:v7+s14+$0x0], $0xffff;
	_ =	sdelay $0x4  }
0x53: {  	v6 =	vsub.f32 v6, v3  }
0x54: {  	v55 =	vld [tilespmem:$0x3480]  }
0x55: {  	[tilespmem:$0x3290] =	vst v6  }
0x56: {  	v6 =	vld.idx.msk [tilespmem:v7+s15+$0x0], $0xffff  }
0x57: {  	s30 =	spop (v2sf)  }
0x58: {  	vm12 =	vgt.s32 v5, v0;
	s24 =	sxor.u32 $0x80000000, s30  }
0x59: {  	v56 =	vnsel vm12, s24, v55;
	_ =	sdelay $0x1  }
0x5a: {  	v6 =	vsub.f32 v6, v2;
	_ =	sdelay $0x1  }
0x5b: {  	[tilespmem:$0x3300] =	vst v6  }
0x5c: {  	v6 =	vld.idx.msk [tilespmem:v56+s2+$0x0], $0xffff;
	_ =	sdelay $0x4  }
0x5d: {  	v6 =	vsub.f32 v6, v4;
	_ =	sdelay $0x1  }
0x5e: {  	[tilespmem:$0x3230] =	vst v6  }
0x5f: {  	v6 =	vld.idx.msk [tilespmem:v56+s14+$0x0], $0xffff;
	_ =	sdelay $0x4  }
0x60: {  	v6 =	vsub.f32 v6, v3  }
0x61: {  	v57 =	vld [tilespmem:$0x3490]  }
0x62: {  	[tilespmem:$0x32A0] =	vst v6  }
0x63: {  	v6 =	vld.idx.msk [tilespmem:v56+s15+$0x0], $0xffff;
	_ =	sdelay $0x1  }
0x64: {  	vm13 =	vgt.s32 v5, v52  }
0x65: {  	v58 =	vnsel vm13, s24, v57;
	_ =	sdelay $0x1  }
0x66: {  	v6 =	vsub.f32 v6, v2;
	_ =	sdelay $0x1  }
0x67: {  	[tilespmem:$0x3310] =	vst v6  }
0x68: {  	v6 =	vld.idx.msk [tilespmem:v58+s2+$0x0], $0xffff;
	_ =	sdelay $0x4  }
0x69: {  	v6 =	vsub.f32 v6, v4;
	_ =	sdelay $0x1  }
0x6a: {  	[tilespmem:$0x3240] =	vst v6  }
0x6b: {  	v6 =	vld.idx.msk [tilespmem:v58+s14+$0x0], $0xffff;
	_ =	sdelay $0x4  }
0x6c: {  	v6 =	vsub.f32 v6, v3  }
0x6d: {  	v59 =	vld [tilespmem:$0x34A0]  }
0x6e: {  	[tilespmem:$0x32B0] =	vst v6  }
0x6f: {  	v6 =	vld.idx.msk [tilespmem:v58+s15+$0x0], $0xffff  }
0x70: {  	v60 =	vor.u32 $0x20, v0  }
0x71: {  	vm14 =	vgt.s32 v5, v60  }
0x72: {  	v7 =	vnsel vm14, s24, v59;
	_ =	sdelay $0x1  }
0x73: {  	v6 =	vsub.f32 v6, v2;
	_ =	sdelay $0x1  }
0x74: {  	[tilespmem:$0x3320] =	vst v6  }
0x75: {  	v6 =	vld.idx.msk [tilespmem:v7+s2+$0x0], $0xffff;
	_ =	sdelay $0x4  }
0x76: {  	v6 =	vsub.f32 v6, v4;
	_ =	sdelay $0x1  }
0x77: {  	[tilespmem:$0x3250] =	vst v6  }
0x78: {  	v6 =	vld.idx.msk [tilespmem:v7+s14+$0x0], $0xffff;
	_ =	sdelay $0x4  }
0x79: {  	v6 =	vsub.f32 v6, v3  }
0x7a: {  	v61 =	vld [tilespmem:$0x34B0]  }
0x7b: {  	[tilespmem:$0x32C0] =	vst v6  }
0x7c: {  	v6 =	vld.idx.msk [tilespmem:v7+s15+$0x0], $0xffff  }
0x7d: {  	v62 =	vor.u32 $0x30, v0  }
0x7e: {  	vm15 =	vgt.s32 v5, v62  }
0x7f: {  	v5 =	vnsel vm15, s24, v61;
	_ =	sdelay $0x1  }
0x80: {  	v6 =	vsub.f32 v6, v2;
	_ =	sdelay $0x1  }
0x81: {  	[tilespmem:$0x3330] =	vst v6  }
0x82: {  	v6 =	vld.idx.msk [tilespmem:v5+s2+$0x0], $0xffff;
	_ =	sdelay $0x4  }
0x83: {  	v63 =	vsub.f32 v6, v4;
	_ =	sdelay $0x1  }
0x84: {  	[tilespmem:$0x3260] =	vst v63  }
0x85: {  	v4 =	vld.idx.msk [tilespmem:v5+s14+$0x0], $0xffff;
	_ =	sdelay $0x4  }
0x86: {  	v3 =	vsub.f32 v4, v3;
	_ =	sdelay $0x1  }
0x87: {  	[tilespmem:$0x32D0] =	vst v3  }
0x88: {  	v3 =	vld.idx.msk [tilespmem:v5+s15+$0x0], $0xffff  }
0x89: {  	s23 =	sadd.s32 s9, s23  }
0x8a: {  	s23 =	sshrl.u32 s23, $0x3  }
0x8b: {  	s31 =	sshll.u32 s22, $0x7;
	s23 =	smul.u32 $0xC00, s23  }
0x8c: {  	s24 =	sand.u32 $0x380, s31  }
0x8d: {  	s22 =	sadd.s32 $0x1, s22;
	s23 =	sor.u32 s24, s23;
	v2 =	vsub.f32 v3, v2  }
0x8e: {  	p0 =	sne.s32 s22, $0x80;
	s23 =	sshrl.u32 s23, $0x3  }
.Ltmp3:
0x8f: {  	s23 =	sadd.s32 s3, s23;
	[tilespmem:$0x3340] =	vst v2;
	(pc) =	sbr.rel @!p0 .LBB2_11-.Ltmp3, $4  }
0x90: {  	[hbm4b:s23+s11] =	stream.strided.scatter [tilespmem:s20], [sflag:$0x1], $0x180, s12, s11, $0x38;
	[tilespmem:$0x3500] =	vst v63  }
0x91: {  	_ =	swait.ge [sflag:s13], $0x180  }
0x92: {  	[sflag:s13] =	ssyncset.done $0x0  }
0x93: {  	[sflag:s13] =	ssyncadd.s32 $0xFFFFFE80  }
.LBB2_2:
0x94: {  	s23 =	sadd.s32 s8, s22  }
0x95: {  	v2 =	vmov s23;
	_ =	sdelay $0x4  }
0x96: {  	v2 =	vld.idx.msk [tilespmem:v2+s16+$0x0], $0xffff;
	_ =	sdelay $0x7  }
0x97: {  	v4 =	vld.idx.msk [tilespmem:v2+s2+$0x0], $0xffff  }
0x98: {  	v6 =	vimm.s32 $0xFFF;
	v3 =	vld.idx.msk [tilespmem:v2+s14+$0x0], $0xffff  }
0x99: {  	v2 =	vld.idx.msk [tilespmem:v2+s15+$0x0], $0xffff;
	[tilespmem:$0x3380] =	vst v6  }
0x9a: {  	[tilespmem:$0x3400] =	vst v6  }
.Ltmp4:
0x9b: {  	[tilespmem:$0x3410] =	vst v6;
	(pc) =	sbr.rel .LBB2_3-.Ltmp4, $4  }
0x9c: {  	[tilespmem:$0x3480] =	vst v6  }
0x9d: {  	[tilespmem:$0x3490] =	vst v6  }
0x9e: {  	v5 =	vimm.s32 $0x0;
	s24 =	simm.s32 $0x70;
	v8 =	vimm.s32 $0xFFF;
	[tilespmem:$0x34A0] =	vst v6  }
0x9f: {  	s25 =	simm.s32 $0x2040;
	s26 =	simm.s32 $0x1040;
	s28 =	simm.s32 $0x40;
	v9 =	vimm.s32 $0xFFF;
	v7 =	vimm.s32 $0x0;
	v14 =	vimm.s32 $0x0;
	[tilespmem:$0x34B0] =	vst v6  }
.LBB2_9:
0xa0: {  	s24 =	sadd.s32 $0x80, s24  }
0xa1: {  	p0 =	sne.s32 s24, $0x1070  }
.Ltmp5:
0xa2: {  	_ = 	snop;
	(pc) =	sbr.rel @!p0 .LBB2_10-.Ltmp5, $2  }
0xa3: {  	_ =	sdelay $0x2  }
0xa4: {  	s25 =	sadd.s32 $0x80, s25;
	s26 =	sadd.s32 $0x80, s26;
	s28 =	sadd.s32 $0x80, s28  }
.LBB2_3:
0xa5: {  	v10 =	vld [tilespmem:s28+$0xFFFFFFC0]  }
0xa6: {  	v12 =	vld [tilespmem:s28+$0xFFFFFFD0]  }
0xa7: {  	v13 =	vld [tilespmem:s26+$0xFFFFFFD0]  }
0xa8: {  	v11 =	vld [tilespmem:s26+$0xFFFFFFC0]  }
0xa9: {  	v16 =	vld [tilespmem:s25+$0xFFFFFFD0];
	_ =	sdelay $0x1  }
0xaa: {  	v15 =	vld [tilespmem:s25+$0xFFFFFFC0];
	v19 =	vxor.u32 $0x80000000, v14  }
0xab: {  	v18 =	vld [tilespmem:s26+$0xFFFFFFE0];
	(xrf0) =	vmax.scan.msk.u32 $0xffff, v19;
	v12 =	vsub.f32 v12, v4;
	v13 =	vsub.f32 v13, v3  }
0xac: {  	v22 =	vld [tilespmem:s28+$0xFFFFFFF0];
	v10 =	vsub.f32 v10, v4;
	v11 =	vsub.f32 v11, v3  }
0xad: {  	v17 =	vld [tilespmem:s28+$0xFFFFFFE0];
	v16 =	vsub.f32 v16, v2;
	v12 =	vmul.f32 v12, v12;
	v13 =	vmul.f32 v13, v13  }
0xae: {  	v10 =	vmul.f32 v10, v10;
	v11 =	vmul.f32 v11, v11  }
0xaf: {  	v20 =	vld [tilespmem:s25+$0xFFFFFFE0];
	v15 =	vsub.f32 v15, v2;
	v12 =	vadd.f32 v13, v12;
	v13 =	vmul.f32 v16, v16  }
0xb0: {  	v23 =	vld [tilespmem:s26+$0xFFFFFFF0];
	v18 =	vsub.f32 v18, v3;
	v10 =	vadd.f32 v11, v10  }
0xb1: {  	v24 =	vld [tilespmem:s26+$0x0];
	v19 =	vadd.f32 v13, v12;
	v13 =	vsub.f32 v22, v4;
	v22, _, _ =	vpop (xrf0)  }
0xb2: {  	v11 =	vmul.f32 v15, v15;
	v16 =	vsub.f32 v17, v4;
	v17 =	vld [tilespmem:s28+$0x0];
	(v2sf) =	vpush v22, $0xF  }
0xb3: {  	v15 =	vld [tilespmem:s25+$0xFFFFFFF0]  }
0xb4: {  	v21 =	vadd.f32 v11, v10;
	v10 =	vmul.f32 v16, v16;
	v11 =	vld [tilespmem:s25+$0x0];
	v12 =	vmul.f32 v18, v18  }
0xb5: {  	v16 =	vsub.f32 v23, v3;
	v23 =	vld [tilespmem:s26+$0x10]  }
0xb6: {  	v18 =	vld [tilespmem:s28+$0x10];
	v10 =	vadd.f32 v12, v10;
	v12 =	vmul.f32 v13, v13  }
0xb7: {  	v27 =	vld [tilespmem:s26+$0x20];
	v13 =	vmul.f32 v16, v16;
	v16 =	vsub.f32 v17, v4;
	v17 =	vsub.f32 v24, v3  }
0xb8: {  	v20 =	vsub.f32 v20, v2;
	v24 =	vld [tilespmem:s25+$0x10];
	v15 =	vsub.f32 v15, v2  }
0xb9: {  	v12 =	vadd.f32 v13, v12;
	v13 =	vld [tilespmem:s28+$0x20];
	v16 =	vmul.f32 v16, v16;
	v17 =	vmul.f32 v17, v17  }
0xba: {  	v11 =	vsub.f32 v11, v2;
	v22 =	vsub.f32 v23, v3;
	v23 =	vld [tilespmem:s28+$0x30];
	v15 =	vmul.f32 v15, v15  }
0xbb: {  	v20 =	vmul.f32 v20, v20;
	v18 =	vsub.f32 v18, v4;
	v16 =	vadd.f32 v17, v16;
	v17 =	vld [tilespmem:s26+$0x30]  }
0xbc: {  	v11 =	vmul.f32 v11, v11;
	v25 =	vadd.f32 v15, v12;
	v15 =	vld [tilespmem:s25+$0x30]  }
0xbd: {  	v28 =	vld [tilespmem:s25+$0x20];
	v26 =	vadd.f32 v20, v10;
	v18 =	vmul.f32 v18, v18;
	v20 =	vmul.f32 v22, v22  }
0xbe: {  	s29 =	sadd.s32 $0xFFFFFF90, s24;
	v22 =	vadd.f32 v11, v16;
	v16 =	vsub.f32 v24, v2  }
0xbf: {  	s30 =	sadd.s32 $0xFFFFFFB0, s24;
	v10 =	vor.u32 s29, v0;
	v18 =	vadd.f32 v20, v18;
	v20 =	vsub.f32 v13, v4  }
0xc0: {  	v12 =	vor.u32 s30, v0;
	s30 =	sadd.s32 $0xFFFFFFD0, s24;
	v24 =	vsub.f32 v27, v3;
	v23 =	vsub.f32 v23, v4  }
0xc1: {  	v17 =	vsub.f32 v17, v3;
	v63 =	vsub.f32 v15, v2;
	v15 =	vor.u32 s30, v0;
	s30 =	spop (v2sf)  }
0xc2: {  	s31 =	sadd.s32 $0xFFFFFFA0, s24;
	v27 =	vsub.f32 v28, v2;
	v20 =	vmul.f32 v20, v20;
	v24 =	vmul.f32 v24, v24;
	p0 =	sgt.u32 s30, $0x8000000F  }
.Ltmp6:
0xc3: {  	v11 =	vor.u32 s31, v0;
	s31 =	sadd.s32 $0xFFFFFFC0, s24;
	v23 =	vmul.f32 v23, v23;
	v17 =	vmul.f32 v17, v17;
	(pc) =	sbr.rel @p0 .LBB2_5-.Ltmp6, $4  }
0xc4: {  	v13 =	vor.u32 s31, v0;
	v29 =	vmul.f32 v16, v16;
	v27 =	vmul.f32 v27, v27  }
0xc5: {  	s31 =	sadd.s32 $0xFFFFFFE0, s24;
	v20 =	vadd.f32 v24, v20;
	v28 =	vmul.f32 v63, v63;
	v30 =	vadd.f32 v17, v23  }
0xc6: {  	v16 =	vor.u32 s31, v0;
	s31 =	sadd.s32 $0xFFFFFFF0, s24;
	v24 =	vadd.f32 v29, v18;
	v18 =	vor.u32 s24, v0  }
0xc7: {  	v23 =	vadd.f32 v27, v20;
	v17 =	vor.u32 s31, v0;
	v20 =	vadd.f32 v28, v30  }
0xc8: {  	vm1 =	vle.f32 v21, $9.999999770e-03  }
0xc9: {  	v27 =	vsel vm1, $0x1, v1  }
0xca: {  	(xrf0) =	vadd.scan.msk.s32 $0xffff, v27;
	_ =	sdelay $0x1  }
0xcb: {  	vm2 =	vle.f32 v19, $9.999999770e-03  }
0xcc: {  	v27 =	vsel vm2, $0x1, v1  }
0xcd: {  	vm3 =	vle.f32 v26, $9.999999770e-03  }
0xce: {  	vm7 =	vle.f32 v22, $9.999999770e-03;
	vm6 =	vle.f32 v24, $9.999999770e-03;
	v28 =	vmpcnt.ones.xlane vm1;
	(xrf0) =	vadd.scan.msk.s32 $0xffff, v27  }
0xcf: {  	v29 =	vsel vm3, $0x1, v1;
	v40 =	vnsel vm1, $0xFFF, v10;
	v31 =	vmpcnt.ones.xlane vm2;
	v27, _, _ =	vpop (xrf0)  }
0xd0: {  	v41 =	vnsel vm2, $0xFFF, v11;
	v43 =	vmpcnt.ones.xlane vm3;
	v27 =	vadd.s32 v27, v14  }
0xd1: {  	v44 =	vsel vm7, $0x1, v1;
	v48 =	vnsel vm3, $0xFFF, v12;
	v27 =	vadd.s32 $0xFFFFFFFF, v27  }
0xd2: {  	v32 =	vsel vm6, $0x1, v1;
	v34 =	vmpcnt.ones.xlane vm7;
	(xrf0) =	vadd.scan.msk.s32 $0xffff, v29;
	vm4 =	vgt.s32 v27, $0x0  }
0xd3: {  	vm0 =	vlt.s32 v27, $0x10;
	v27 =	vnsel vm4, $0x0, v27;
	vm4 =	vle.f32 v25, $9.999999770e-03  }
0xd4: {  	v55 =	vnsel vm7, $0xFFF, v15;
	v14 =	vadd.s32 v14, v28;
	v39, _, _ =	vpop (xrf0);
	v30 =	vsel vm4, $0x1, v1  }
0xd5: {  	v56 =	vmpcnt.ones.xlane vm6;
	v35 =	vnsel vm6, $0xFFF, v16;
	v28 =	vadd.s32 v14, v39;
	(xrf0) =	vadd.scan.msk.s32 $0xffff, v30  }
0xd6: {  	v14 =	vadd.s32 v14, v31;
	v28 =	vadd.s32 $0xFFFFFFFF, v28;
	vm0 =	vmand vm1, vm0  }
0xd7: {  	vm1 =	vlt.s32 v9, v40;
	vm5 =	vlt.s32 v28, $0x10;
	vm12 =	vgt.s32 v28, $0x0  }
0xd8: {  	v27 =	vmin.u32 v27, $0xF;
	v9 =	vsel vm1, v9, v40;
	vm1 =	vmand vm2, vm5;
	v42, _, _ =	vpop (xrf0)  }
0xd9: {  	v28 =	vnsel vm12, $0x0, v28;
	v33 =	vmpcnt.ones.xlane vm4;
	v30 =	vadd.s32 v14, v42  }
0xda: {  	v49 =	vnsel vm4, $0xFFF, v13;
	vm5 =	vle.f32 v20, $9.999999770e-03;
	(xrf0) =	vadd.scan.msk.s32 $0xffff, v44;
	v30 =	vadd.s32 $0xFFFFFFFF, v30  }
0xdb: {  	vm2 =	vlt.s32 v9, v41;
	v14 =	vadd.s32 v14, v43;
	vm13 =	vgt.s32 v30, $0x0;
	v45, _, _ =	vpop (xrf0)  }
0xdc: {  	vm14 =	vlt.s32 v30, $0x10;
	v30 =	vnsel vm13, $0x0, v30;
	v47 =	vadd.s32 v14, v45  }
0xdd: {  	v9 =	vsel vm2, v9, v41;
	v46 =	vmin.u32 v30, $0xF;
	(xrf0) =	vadd.scan.msk.s32 $0xffff, v32;
	v30 =	vadd.s32 $0xFFFFFFFF, v47  }
0xde: {  	vm2 =	vmand vm3, vm14;
	vm3 =	vlt.s32 v9, v48;
	vm8 =	vlt.s32 v30, $0x10  }
0xdf: {  	v9 =	vsel vm3, v9, v48;
	vm3 =	vmand vm4, vm8;
	vm4 =	vle.f32 v23, $9.999999770e-03  }
0xe0: {  	v28 =	vmin.u32 v28, $0xF;
	v14 =	vadd.s32 v14, v33;
	v50, _, _ =	vpop (xrf0);
	v51 =	vsel vm4, $0x1, v1  }
0xe1: {  	v52 =	vsel vm5, $0x1, v1;
	vm12 =	vlt.s32 v9, v49;
	v32 =	vadd.s32 v14, v50;
	(xrf0) =	vadd.scan.msk.s32 $0xffff, v51  }
0xe2: {  	v9 =	vsel vm12, v9, v49;
	vm15 =	vgt.s32 v30, $0x0;
	v32 =	vadd.s32 $0xFFFFFFFF, v32  }
0xe3: {  	v14 =	vadd.s32 v14, v34;
	v30 =	vnsel vm15, $0x0, v30;
	vm13 =	vlt.s32 v32, $0x10;
	v53, _, _ =	vpop (xrf0);
	(xrf0) =	vadd.scan.msk.s32 $0xffff, v52  }
0xe4: {  	vm9 =	vgt.s32 v32, $0x0;
	v30 =	vmin.u32 v30, $0xF;
	vm8 =	vmand vm7, vm13  }
0xe5: {  	v54 =	vnsel vm9, $0x0, v32;
	vm7 =	vlt.s32 v9, v55;
	v33 =	vadd.s32 v14, v53  }
0xe6: {  	v58 =	vmpcnt.ones.xlane vm4;
	v31 =	vmin.u32 v54, $0xF;
	v33 =	vadd.s32 $0xFFFFFFFF, v33  }
0xe7: {  	v9 =	vsel vm7, v9, v55;
	v14 =	vadd.s32 v14, v56;
	vm14 =	vlt.s32 v33, $0x10;
	v57, _, _ =	vpop (xrf0)  }
0xe8: {  	vm15 =	vgt.s32 v33, $0x0;
	vm7 =	vmand vm6, vm14;
	v32 =	vadd.s32 v14, v57  }
0xe9: {  	v33 =	vnsel vm15, $0x0, v33;
	v14 =	vadd.s32 v14, v58;
	v59, _, _ =	vpop (xrf0);
	v32 =	vadd.s32 $0xFFFFFFFF, v32  }
0xea: {  	v33 =	vmin.u32 v33, $0xF;
	v34 =	vadd.s32 v14, v59;
	vm11 =	vlt.s32 v32, $0x10  }
0xeb: {  	vm12 =	vgt.s32 v32, $0x0;
	v34 =	vadd.s32 $0xFFFFFFFF, v34;
	vm6 =	vmand vm4, vm11  }
0xec: {  	[tilespmem:v27+s17+$0x0] =	vst.idx.msk vm0, v10;
	v27 =	vnsel vm12, $0x0, v32;
	vm13 =	vlt.s32 v34, $0x10;
	vm14 =	vgt.s32 v34, $0x0  }
0xed: {  	[tilespmem:v28+s17+$0x0] =	vst.idx.msk vm1, v11;
	v60 =	vnsel vm14, $0x0, v34;
	v27 =	vmin.u32 v27, $0xF;
	vm0 =	vmand vm5, vm13  }
0xee: {  	[tilespmem:v46+s17+$0x0] =	vst.idx.msk vm2, v12;
	vm15 =	vlt.s32 v9, v35;
	v28 =	vmin.u32 v60, $0xF  }
0xef: {  	v61 =	vnsel vm4, $0xFFF, v17;
	[tilespmem:v30+s17+$0x0] =	vst.idx.msk vm3, v13;
	v9 =	vsel vm15, v9, v35  }
0xf0: {  	[tilespmem:v31+s17+$0x0] =	vst.idx.msk vm8, v15;
	vm1 =	vlt.s32 v9, v61  }
0xf1: {  	v62 =	vmpcnt.ones.xlane vm5;
	v63 =	vnsel vm5, $0xFFF, v18;
	v9 =	vsel vm1, v9, v61;
	[tilespmem:v33+s17+$0x0] =	vst.idx.msk vm7, v16  }
0xf2: {  	vm1 =	vlt.s32 v9, v63;
	[tilespmem:v27+s17+$0x0] =	vst.idx.msk vm6, v17  }
0xf3: {  	v14 =	vadd.s32 v14, v62;
	v9 =	vsel vm1, v9, v63;
	[tilespmem:v28+s17+$0x0] =	vst.idx.msk vm0, v18  }
.LBB2_5:
0xf4: {  	v27 =	vxor.u32 $0x80000000, v7  }
0xf5: {  	(xrf0) =	vmax.scan.msk.u32 $0xffff, v27;
	_ =	sdelay $0x5  }
0xf6: {  	v27, _, _ =	vpop (xrf0)  }
0xf7: {  	(v2sf) =	vpush v27, $0xF;
	_ =	sdelay $0xe  }
0xf8: {  	s29 =	spop (v2sf)  }
0xf9: {  	p0 =	sgt.u32 s29, $0x8000001F  }
.Ltmp7:
0xfa: {  	_ = 	snop;
	(pc) =	sbr.rel @p0 .LBB2_7-.Ltmp7, $1  }
0xfb: {  	_ =	sdelay $0x3  }
0xfc: {  	vm1 =	vle.f32 v21, $3.999999910e-02  }
0xfd: {  	v27 =	vsel vm1, $0x1, v1  }
0xfe: {  	(xrf0) =	vadd.scan.msk.s32 $0xffff, v27;
	_ =	sdelay $0x1  }
0xff: {  	vm2 =	vle.f32 v19, $3.999999910e-02  }
0x100: {  	v27 =	vsel vm2, $0x1, v1  }
0x101: {  	vm3 =	vle.f32 v26, $3.999999910e-02  }
0x102: {  	vm7 =	vle.f32 v22, $3.999999910e-02;
	vm6 =	vle.f32 v24, $3.999999910e-02;
	v28 =	vmpcnt.ones.xlane vm1;
	(xrf0) =	vadd.scan.msk.s32 $0xffff, v27  }
0x103: {  	v29 =	vsel vm3, $0x1, v1;
	v40 =	vnsel vm1, $0xFFF, v10;
	v31 =	vmpcnt.ones.xlane vm2;
	v27, _, _ =	vpop (xrf0)  }
0x104: {  	v41 =	vnsel vm2, $0xFFF, v11;
	v43 =	vmpcnt.ones.xlane vm3;
	v27 =	vadd.s32 v27, v7  }
0x105: {  	v44 =	vsel vm7, $0x1, v1;
	v48 =	vnsel vm3, $0xFFF, v12;
	v27 =	vadd.s32 $0xFFFFFFFF, v27  }
0x106: {  	v32 =	vsel vm6, $0x1, v1;
	v34 =	vmpcnt.ones.xlane vm7;
	(xrf0) =	vadd.scan.msk.s32 $0xffff, v29;
	vm4 =	vgt.s32 v27, $0x0  }
0x107: {  	vm0 =	vlt.s32 v27, $0x20;
	v27 =	vnsel vm4, $0x0, v27;
	vm4 =	vle.f32 v25, $3.999999910e-02  }
0x108: {  	v55 =	vnsel vm7, $0xFFF, v15;
	v7 =	vadd.s32 v7, v28;
	v39, _, _ =	vpop (xrf0);
	v30 =	vsel vm4, $0x1, v1  }
0x109: {  	v56 =	vmpcnt.ones.xlane vm6;
	v35 =	vnsel vm6, $0xFFF, v16;
	v28 =	vadd.s32 v7, v39;
	(xrf0) =	vadd.scan.msk.s32 $0xffff, v30  }
0x10a: {  	v7 =	vadd.s32 v7, v31;
	v28 =	vadd.s32 $0xFFFFFFFF, v28;
	vm0 =	vmand vm1, vm0  }
0x10b: {  	vm1 =	vlt.s32 v8, v40;
	vm5 =	vlt.s32 v28, $0x20;
	vm12 =	vgt.s32 v28, $0x0  }
0x10c: {  	v27 =	vmin.u32 v27, $0x1F;
	v8 =	vsel vm1, v8, v40;
	vm1 =	vmand vm2, vm5;
	v42, _, _ =	vpop (xrf0)  }
0x10d: {  	v28 =	vnsel vm12, $0x0, v28;
	v33 =	vmpcnt.ones.xlane vm4;
	v30 =	vadd.s32 v7, v42  }
0x10e: {  	v49 =	vnsel vm4, $0xFFF, v13;
	vm5 =	vle.f32 v20, $3.999999910e-02;
	(xrf0) =	vadd.scan.msk.s32 $0xffff, v44;
	v30 =	vadd.s32 $0xFFFFFFFF, v30  }
0x10f: {  	vm2 =	vlt.s32 v8, v41;
	v7 =	vadd.s32 v7, v43;
	vm13 =	vgt.s32 v30, $0x0;
	v45, _, _ =	vpop (xrf0)  }
0x110: {  	vm14 =	vlt.s32 v30, $0x20;
	v30 =	vnsel vm13, $0x0, v30;
	v47 =	vadd.s32 v7, v45  }
0x111: {  	v8 =	vsel vm2, v8, v41;
	v46 =	vmin.u32 v30, $0x1F;
	(xrf0) =	vadd.scan.msk.s32 $0xffff, v32;
	v30 =	vadd.s32 $0xFFFFFFFF, v47  }
0x112: {  	vm2 =	vmand vm3, vm14;
	vm3 =	vlt.s32 v8, v48;
	vm8 =	vlt.s32 v30, $0x20  }
0x113: {  	v8 =	vsel vm3, v8, v48;
	vm3 =	vmand vm4, vm8;
	vm4 =	vle.f32 v23, $3.999999910e-02  }
0x114: {  	v28 =	vmin.u32 v28, $0x1F;
	v7 =	vadd.s32 v7, v33;
	v50, _, _ =	vpop (xrf0);
	v51 =	vsel vm4, $0x1, v1  }
0x115: {  	v52 =	vsel vm5, $0x1, v1;
	vm12 =	vlt.s32 v8, v49;
	v32 =	vadd.s32 v7, v50;
	(xrf0) =	vadd.scan.msk.s32 $0xffff, v51  }
0x116: {  	v8 =	vsel vm12, v8, v49;
	vm15 =	vgt.s32 v30, $0x0;
	v32 =	vadd.s32 $0xFFFFFFFF, v32  }
0x117: {  	v7 =	vadd.s32 v7, v34;
	v30 =	vnsel vm15, $0x0, v30;
	vm13 =	vlt.s32 v32, $0x20;
	v53, _, _ =	vpop (xrf0);
	(xrf0) =	vadd.scan.msk.s32 $0xffff, v52  }
0x118: {  	vm9 =	vgt.s32 v32, $0x0;
	v30 =	vmin.u32 v30, $0x1F;
	vm8 =	vmand vm7, vm13  }
0x119: {  	v54 =	vnsel vm9, $0x0, v32;
	vm7 =	vlt.s32 v8, v55;
	v33 =	vadd.s32 v7, v53  }
0x11a: {  	v58 =	vmpcnt.ones.xlane vm4;
	v31 =	vmin.u32 v54, $0x1F;
	v33 =	vadd.s32 $0xFFFFFFFF, v33  }
0x11b: {  	v8 =	vsel vm7, v8, v55;
	v7 =	vadd.s32 v7, v56;
	vm14 =	vlt.s32 v33, $0x20;
	v57, _, _ =	vpop (xrf0)  }
0x11c: {  	vm15 =	vgt.s32 v33, $0x0;
	vm7 =	vmand vm6, vm14;
	v32 =	vadd.s32 v7, v57  }
0x11d: {  	v33 =	vnsel vm15, $0x0, v33;
	v7 =	vadd.s32 v7, v58;
	v59, _, _ =	vpop (xrf0);
	v32 =	vadd.s32 $0xFFFFFFFF, v32  }
0x11e: {  	v33 =	vmin.u32 v33, $0x1F;
	v34 =	vadd.s32 v7, v59;
	vm11 =	vlt.s32 v32, $0x20  }
0x11f: {  	vm12 =	vgt.s32 v32, $0x0;
	v34 =	vadd.s32 $0xFFFFFFFF, v34;
	vm6 =	vmand vm4, vm11  }
0x120: {  	[tilespmem:v27+s18+$0x0] =	vst.idx.msk vm0, v10;
	v27 =	vnsel vm12, $0x0, v32;
	vm13 =	vlt.s32 v34, $0x20;
	vm14 =	vgt.s32 v34, $0x0  }
0x121: {  	[tilespmem:v28+s18+$0x0] =	vst.idx.msk vm1, v11;
	v60 =	vnsel vm14, $0x0, v34;
	v27 =	vmin.u32 v27, $0x1F;
	vm0 =	vmand vm5, vm13  }
0x122: {  	[tilespmem:v46+s18+$0x0] =	vst.idx.msk vm2, v12;
	vm15 =	vlt.s32 v8, v35;
	v28 =	vmin.u32 v60, $0x1F  }
0x123: {  	v61 =	vnsel vm4, $0xFFF, v17;
	[tilespmem:v30+s18+$0x0] =	vst.idx.msk vm3, v13;
	v8 =	vsel vm15, v8, v35  }
0x124: {  	[tilespmem:v31+s18+$0x0] =	vst.idx.msk vm8, v15;
	vm1 =	vlt.s32 v8, v61  }
0x125: {  	v62 =	vmpcnt.ones.xlane vm5;
	v63 =	vnsel vm5, $0xFFF, v18;
	v8 =	vsel vm1, v8, v61;
	[tilespmem:v33+s18+$0x0] =	vst.idx.msk vm7, v16  }
0x126: {  	vm1 =	vlt.s32 v8, v63;
	[tilespmem:v27+s18+$0x0] =	vst.idx.msk vm6, v17  }
0x127: {  	v7 =	vadd.s32 v7, v62;
	v8 =	vsel vm1, v8, v63;
	[tilespmem:v28+s18+$0x0] =	vst.idx.msk vm0, v18  }
.LBB2_7:
0x128: {  	v27 =	vxor.u32 $0x80000000, v5  }
0x129: {  	(xrf0) =	vmax.scan.msk.u32 $0xffff, v27;
	_ =	sdelay $0x5  }
0x12a: {  	v27, _, _ =	vpop (xrf0)  }
0x12b: {  	(v2sf) =	vpush v27, $0xF;
	_ =	sdelay $0xe  }
0x12c: {  	s29 =	spop (v2sf)  }
0x12d: {  	p0 =	sgt.u32 s29, $0x8000003F  }
.Ltmp8:
0x12e: {  	_ = 	snop;
	(pc) =	sbr.rel @p0 .LBB2_9-.Ltmp8, $1  }
0x12f: {  	_ =	sdelay $0x3  }
0x130: {  	vm1 =	vle.f32 v21, $1.599999960e-01  }
0x131: {  	v21 =	vsel vm1, $0x1, v1  }
0x132: {  	(xrf0) =	vadd.scan.msk.s32 $0xffff, v21;
	_ =	sdelay $0x2  }
0x133: {  	vm2 =	vle.f32 v19, $1.599999960e-01  }
0x134: {  	vm3 =	vle.f32 v26, $1.599999960e-01;
	v19 =	vsel vm2, $0x1, v1  }
0x135: {  	vm7 =	vle.f32 v22, $1.599999960e-01;
	vm6 =	vle.f32 v24, $1.599999960e-01;
	v37 =	vmpcnt.ones.xlane vm1;
	(xrf0) =	vadd.scan.msk.s32 $0xffff, v19  }
0x136: {  	v26 =	vsel vm3, $0x1, v1;
	v39 =	vnsel vm1, $0xFFF, v10;
	v27 =	vmpcnt.ones.xlane vm2;
	v36, _, _ =	vpop (xrf0)  }
0x137: {  	v41 =	vnsel vm2, $0xFFF, v11;
	v43 =	vmpcnt.ones.xlane vm3;
	v19 =	vadd.s32 v36, v5  }
0x138: {  	v22 =	vsel vm7, $0x1, v1;
	v48 =	vnsel vm3, $0xFFF, v12;
	v19 =	vadd.s32 $0xFFFFFFFF, v19  }
0x139: {  	v24 =	vsel vm6, $0x1, v1;
	v55 =	vmpcnt.ones.xlane vm7;
	vm4 =	vgt.s32 v19, $0x0  }
0x13a: {  	(xrf0) =	vadd.scan.msk.s32 $0xffff, v26;
	vm0 =	vlt.s32 v19, $0x40;
	v19 =	vnsel vm4, $0x0, v19;
	vm4 =	vle.f32 v25, $1.599999960e-01  }
0x13b: {  	v58 =	vnsel vm7, $0xFFF, v15;
	v5 =	vadd.s32 v5, v37;
	v38, _, _ =	vpop (xrf0);
	v40 =	vsel vm4, $0x1, v1  }
0x13c: {  	v59 =	vmpcnt.ones.xlane vm6;
	v63 =	vnsel vm6, $0xFFF, v16;
	v21 =	vadd.s32 v5, v38;
	(xrf0) =	vadd.scan.msk.s32 $0xffff, v40  }
0x13d: {  	v5 =	vadd.s32 v5, v27;
	v21 =	vadd.s32 $0xFFFFFFFF, v21;
	vm0 =	vmand vm1, vm0  }
0x13e: {  	vm1 =	vlt.s32 v6, v39;
	vm5 =	vlt.s32 v21, $0x40;
	vm12 =	vgt.s32 v21, $0x0  }
0x13f: {  	v19 =	vmin.u32 v19, $0x3F;
	v6 =	vsel vm1, v6, v39;
	vm1 =	vmand vm2, vm5  }
0x140: {  	v21 =	vnsel vm12, $0x0, v21;
	v49 =	vmpcnt.ones.xlane vm4;
	v51 =	vnsel vm4, $0xFFF, v13;
	v42, _, _ =	vpop (xrf0)  }
0x141: {  	vm5 =	vle.f32 v20, $1.599999960e-01;
	v21 =	vmin.u32 v21, $0x3F;
	v26 =	vadd.s32 v5, v42  }
0x142: {  	vm2 =	vlt.s32 v6, v41;
	v5 =	vadd.s32 v5, v43;
	(xrf0) =	vadd.scan.msk.s32 $0xffff, v22;
	v26 =	vadd.s32 $0xFFFFFFFF, v26;
	v45, _, _ =	vpop (xrf0)  }
0x143: {  	v6 =	vsel vm2, v6, v41;
	vm13 =	vgt.s32 v26, $0x0;
	v47 =	vadd.s32 v5, v45  }
0x144: {  	vm14 =	vlt.s32 v26, $0x40;
	v44 =	vnsel vm13, $0x0, v26;
	(xrf0) =	vadd.scan.msk.s32 $0xffff, v24;
	v25 =	vadd.s32 $0xFFFFFFFF, v47  }
0x145: {  	vm2 =	vmand vm3, vm14;
	vm3 =	vlt.s32 v6, v48;
	vm8 =	vlt.s32 v25, $0x40  }
0x146: {  	v6 =	vsel vm3, v6, v48;
	vm3 =	vmand vm4, vm8;
	vm4 =	vle.f32 v23, $1.599999960e-01  }
0x147: {  	v20 =	vsel vm5, $0x1, v1;
	v46 =	vmin.u32 v44, $0x3F;
	v54 =	vsel vm4, $0x1, v1  }
0x148: {  	vm12 =	vlt.s32 v6, v51;
	v5 =	vadd.s32 v5, v49;
	v52, _, _ =	vpop (xrf0);
	vm15 =	vgt.s32 v25, $0x0;
	(xrf0) =	vadd.scan.msk.s32 $0xffff, v54  }
0x149: {  	v6 =	vsel vm12, v6, v51;
	v53 =	vadd.s32 v5, v52;
	v25 =	vnsel vm15, $0x0, v25  }
0x14a: {  	v5 =	vadd.s32 v5, v55;
	v23 =	vadd.s32 $0xFFFFFFFF, v53;
	v50 =	vmin.u32 v25, $0x3F;
	v56, _, _ =	vpop (xrf0);
	(xrf0) =	vadd.scan.msk.s32 $0xffff, v20  }
0x14b: {  	vm13 =	vlt.s32 v23, $0x40;
	vm9 =	vgt.s32 v23, $0x0;
	v61 =	vmpcnt.ones.xlane vm4  }
0x14c: {  	vm8 =	vmand vm7, vm13;
	v57 =	vnsel vm9, $0x0, v23;
	v25 =	vadd.s32 v5, v56  }
0x14d: {  	vm7 =	vlt.s32 v6, v58;
	v20 =	vmin.u32 v57, $0x3F;
	v25 =	vadd.s32 $0xFFFFFFFF, v25  }
0x14e: {  	v6 =	vsel vm7, v6, v58;
	v5 =	vadd.s32 v5, v59;
	vm14 =	vlt.s32 v25, $0x40;
	v60, _, _ =	vpop (xrf0)  }
0x14f: {  	vm15 =	vgt.s32 v25, $0x0;
	vm7 =	vmand vm6, vm14;
	v23 =	vadd.s32 v5, v60  }
0x150: {  	v25 =	vnsel vm15, $0x0, v25;
	v5 =	vadd.s32 v5, v61;
	v62, _, _ =	vpop (xrf0);
	v23 =	vadd.s32 $0xFFFFFFFF, v23  }
0x151: {  	v25 =	vmin.u32 v25, $0x3F;
	v26 =	vadd.s32 v5, v62;
	vm11 =	vlt.s32 v23, $0x40  }
0x152: {  	vm12 =	vgt.s32 v23, $0x0;
	v26 =	vadd.s32 $0xFFFFFFFF, v26;
	vm6 =	vmand vm4, vm11  }
0x153: {  	[tilespmem:v19+s19+$0x0] =	vst.idx.msk vm0, v10;
	v10 =	vnsel vm12, $0x0, v23;
	vm13 =	vlt.s32 v26, $0x40;
	vm14 =	vgt.s32 v26, $0x0  }
0x154: {  	[tilespmem:v21+s19+$0x0] =	vst.idx.msk vm1, v11;
	v11 =	vnsel vm14, $0x0, v26;
	v10 =	vmin.u32 v10, $0x3F;
	vm0 =	vmand vm5, vm13  }
0x155: {  	[tilespmem:v46+s19+$0x0] =	vst.idx.msk vm2, v12;
	vm15 =	vlt.s32 v6, v63;
	v11 =	vmin.u32 v11, $0x3F  }
.Ltmp9:
0x156: {  	v12 =	vnsel vm4, $0xFFF, v17;
	[tilespmem:v50+s19+$0x0] =	vst.idx.msk vm3, v13;
	v6 =	vsel vm15, v6, v63;
	(pc) =	sbr.rel .LBB2_9-.Ltmp9, $4  }
0x157: {  	[tilespmem:v20+s19+$0x0] =	vst.idx.msk vm8, v15;
	vm1 =	vlt.s32 v6, v12  }
0x158: {  	v13 =	vnsel vm5, $0xFFF, v18;
	v6 =	vsel vm1, v6, v12;
	v12 =	vmpcnt.ones.xlane vm5;
	[tilespmem:v25+s19+$0x0] =	vst.idx.msk vm7, v16  }
0x159: {  	vm1 =	vlt.s32 v6, v13;
	[tilespmem:v10+s19+$0x0] =	vst.idx.msk vm6, v17  }
0x15a: {  	v5 =	vadd.s32 v5, v12;
	v6 =	vsel vm1, v6, v13;
	[tilespmem:v11+s19+$0x0] =	vst.idx.msk vm0, v18  }
.LBB2_12:
0x15b: {  	_ =	sfence.sel $0x180000  }
0x15c: {  	[bflag:$0x0] =	sbarrier.arrive $0xFFFF  }
0x15d: {  	p0 =	sne.s32 s0, $0x0;
	_ =	strace $0x90000047  }
0x15e: {  	s0 =	sadd.s32 @!p0 $0x100000, s1;
	[bflag:$0x2] =	sbarrier.arrive $0xFFFF  }
0x15f: {  	[sflag:s0] =	ssyncadd.tile.s32 @!p0 $0x1;
	_ =	shalt  }
.Lfunc_end2:
_tile_overlayer_lowered:
.L_overlay_start_2:
0x160: {  	(tag) =	ssettag $0x2  }
0x161: {  	s0 =	rddreg [dreg:$0x0];
	s2 =	stileid.u32  }
0x162: {  	s1 =	rddreg [dreg:$0x1];
	p0 =	sne.s32 s2, $0x0  }
0x163: {  	s3 =	rddreg [dreg:$0x2];
	[bflag:$0x3] =	sbarrier.arrive $0xFFFF;
	s2 =	simm.s32 @!p0 $0x1C01  }
0x164: {  	[timem:s3], [sflag:s2] =	dma.local @!p0 [hbm:s0], s1  }
0x165: {  	s0 =	simm.s32 @!p0 $0x1  }
0x166: {  	_ =	swait.ge @!p0 [sflag:s0], s1  }
0x167: {  	s1 =	ssub.s32 @!p0 $0x0, s1;
	[sflag:s0] =	ssyncset.done @!p0 $0x0  }
0x168: {  	[sflag:s0] =	ssyncadd.s32 @!p0 s1  }
0x169: {  	[bflag:$0x3] =	sbarrier.arrive $0xFFFF  }
0x16a: {  	_ =	shalt  }

</sc_bundles>
